<compile_context>
chip_gen: v7x
topology: tpu7x:2x2x1
jax: 0.10.2.dev20260603
libtpu: 0.0.44.dev20260713+nightly
codegen_flags: <defaults>
</compile_context>

<pallas_src>
import functools

import jax
import jax.numpy as jnp
from jax import lax
from jax.experimental import pallas as pl
from jax.experimental.pallas import tpu as pltpu
from jax.experimental.pallas import tpu_sc as plsc

EMB = 64
BATCH = 16384
NC = 2
NS = 16
NW = NC * NS
BPW = BATCH // NW
CHUNK = 128
NCH = BPW // CHUNK

_mesh = plsc.VectorSubcoreMesh(
    core_axis_name="c", subcore_axis_name="s", num_cores=NC, num_subcores=NS
)

_out = jax.ShapeDtypeStruct((NW, BPW, EMB), jnp.float32)


@functools.partial(
    pl.kernel,
    out_type=[_out, _out, _out],
    mesh=_mesh,
    compiler_params=pltpu.CompilerParams(use_tc_tiling_on_sc=False),
    scratch_types=[
        pltpu.VMEM((NCH, CHUNK), jnp.int32),
        pltpu.VMEM((NCH, CHUNK), jnp.int32),
        pltpu.VMEM((NCH, CHUNK), jnp.int32),
        pltpu.VMEM((BPW, EMB), jnp.float32),
        pltpu.VMEM((BPW, EMB), jnp.float32),
        pltpu.VMEM((BPW, EMB), jnp.float32),
        pltpu.SemaphoreType.DMA,
    ],
)
def _gather3(users_hbm, pos_hbm, neg_hbm, utab_hbm, itab_hbm,
             out_u, out_p, out_n,
             idx_u, idx_p, idx_n, rows_u, rows_p, rows_n, sem):
    wid = lax.axis_index("s") * NC + lax.axis_index("c")

    pltpu.sync_copy(users_hbm.at[wid], idx_u)
    pltpu.sync_copy(pos_hbm.at[wid], idx_p)
    pltpu.sync_copy(neg_hbm.at[wid], idx_n)

    copies = []
    for tab, idx, rows in ((utab_hbm, idx_u, rows_u),
                           (itab_hbm, idx_p, rows_p),
                           (itab_hbm, idx_n, rows_n)):
        for j in range(NCH):
            copies.append(
                pltpu.async_copy(
                    tab.at[idx.at[j]], rows.at[pl.ds(j * CHUNK, CHUNK)], sem
                )
            )
    for c in copies:
        c.wait()

    pltpu.sync_copy(rows_u, out_u.at[wid])
    pltpu.sync_copy(rows_p, out_p.at[wid])
    pltpu.sync_copy(rows_n, out_n.at[wid])


def kernel(users, pos_items, neg_items, user_table, item_table):
    u = users.astype(jnp.int32).reshape(NW, NCH, CHUNK)
    p = pos_items.astype(jnp.int32).reshape(NW, NCH, CHUNK)
    n = neg_items.astype(jnp.int32).reshape(NW, NCH, CHUNK)
    out_u, out_p, out_n = _gather3(u, p, n, user_table, item_table)
    return (out_u.reshape(BATCH, EMB),
            out_p.reshape(BATCH, EMB),
            out_n.reshape(BATCH, EMB))

# --- scband reference (transcript-rebuilt; emitter-appended) ---
"""Pipeline reference for scband-mf-84164179132777 (READ-ONLY COPY).

The authoritative reference and input builder live on the scoring server;
editing this copy changes nothing except your own understanding.
"""

import jax, jax.numpy as jnp
import numpy as np

NUM_USERS = 1000000
NUM_ITEMS = 1000000
EMB = 64
BATCH = 16384

def setup_inputs(seed: int = 0) -> dict:
    key = jax.random.key(seed)
    k1, k2, k3, k4, k5 = jax.random.split(key, 5)
    users = jax.random.randint(k1, (BATCH,), 0, NUM_USERS)
    pos_items = jax.random.randint(k2, (BATCH,), 0, NUM_ITEMS)
    neg_items = jax.random.randint(k3, (BATCH,), 0, NUM_ITEMS)
    user_table = jax.random.normal(k4, (NUM_USERS, EMB), dtype=jnp.float32) * 0.01
    item_table = jax.random.normal(k5, (NUM_ITEMS, EMB), dtype=jnp.float32) * 0.01
    return {"users": users, "pos_items": pos_items, "neg_items": neg_items,
            "user_table": user_table, "item_table": item_table}

def reference(users, pos_items, neg_items, user_table, item_table):
    # MF.forward: three embedding lookups (users from user table, pos/neg from item table)
    users_emb = jnp.take(user_table, users, axis=0)
    pos_emb = jnp.take(item_table, pos_items, axis=0)
    neg_emb = jnp.take(item_table, neg_items, axis=0)
    return (users_emb, pos_emb, neg_emb)

if __name__ == "__main__":
    import jax
    _d = setup_inputs()
    print(jax.jit(kernel)(*tuple(_d.values())))

</pallas_src>

<mosaic_0001>
#map = affine_map<(d0, d1) -> (0, 0, 0)>
#map1 = affine_map<(d0, d1) -> (0, 0)>
module attributes {stable_mosaic.version = 14 : i64} {
  func.func @_gather3(%arg0: i32, %arg1: i32, %arg2: memref<32x4x128xi32, #tpu.memory_space<hbm>>, %arg3: memref<32x4x128xi32, #tpu.memory_space<hbm>>, %arg4: memref<32x4x128xi32, #tpu.memory_space<hbm>>, %arg5: memref<1000000x64xf32, #tpu.memory_space<hbm>>, %arg6: memref<1000000x64xf32, #tpu.memory_space<hbm>>, %arg7: memref<32x512x64xf32, #tpu.memory_space<hbm>>, %arg8: memref<32x512x64xf32, #tpu.memory_space<hbm>>, %arg9: memref<32x512x64xf32, #tpu.memory_space<hbm>>, %arg10: memref<4x128xi32, #tpu.memory_space<vmem>>, %arg11: memref<4x128xi32, #tpu.memory_space<vmem>>, %arg12: memref<4x128xi32, #tpu.memory_space<vmem>>, %arg13: memref<512x64xf32, #tpu.memory_space<vmem>>, %arg14: memref<512x64xf32, #tpu.memory_space<vmem>>, %arg15: memref<512x64xf32, #tpu.memory_space<vmem>>, %arg16: memref<!tpu.dma_semaphore, #tpu.memory_space<semaphore_mem>>) attributes {dimension_semantics = [#tpu.dimension_semantics<core_parallel>, #tpu.dimension_semantics<subcore_parallel>], iteration_bounds = array<i64: 2, 16>, scalar_prefetch = 0 : i64, scratch_operands = 7 : i64, tpu.core_type = #tpu.core_type<sc_vector_subcore>, window_params = [{transform_indices = #map}, {transform_indices = #map}, {transform_indices = #map}, {transform_indices = #map1}, {transform_indices = #map1}, {transform_indices = #map}, {transform_indices = #map}, {transform_indices = #map}]} {
    %mul3A = arith.constant 2 : i32
    %mul3A_0 = arith.muli %arg1, %mul3A : i32
    %add3A = arith.addi %mul3A_0, %arg0 : i32
    "tpu.region"() ({
      %run_scoped3A = tpu.sem_alloc : memref<!tpu.dma_semaphore, #tpu.memory_space<semaphore_mem>>
      %dma_start3A_239 = arith.constant 0 : i32
      %dma_start3A_240 = arith.constant 0 : i32
      %dma_start3A_241 = tpu.memref_slice %arg2[%add3A, %dma_start3A_239, %dma_start3A_240] : memref<32x4x128xi32, #tpu.memory_space<hbm>> -> memref<1x4x128xi32, #tpu.memory_space<hbm>>
      %dma_start3A_242 = tpu.memref_squeeze %dma_start3A_241 : memref<1x4x128xi32, #tpu.memory_space<hbm>> -> memref<4x128xi32, #tpu.memory_space<hbm>>
      %dma_start3A_243 = arith.constant 0 : i32
      %dma_start3A_244 = arith.constant 0 : i32
      %dma_start3A_245 = tpu.memref_slice %arg2[%add3A, %dma_start3A_243, %dma_start3A_244] : memref<32x4x128xi32, #tpu.memory_space<hbm>> -> memref<1x4x128xi32, #tpu.memory_space<hbm>>
      %dma_start3A_246 = tpu.memref_squeeze %dma_start3A_245 : memref<1x4x128xi32, #tpu.memory_space<hbm>> -> memref<4x128xi32, #tpu.memory_space<hbm>>
      tpu.enqueue_dma source(%dma_start3A_246 : memref<4x128xi32, #tpu.memory_space<hbm>>) target(%arg10 : memref<4x128xi32, #tpu.memory_space<vmem>>) target_semaphore(%run_scoped3A : memref<!tpu.dma_semaphore, #tpu.memory_space<semaphore_mem>>)
      %dma_wait3A_247 = arith.constant 0 : i32
      %dma_wait3A_248 = arith.constant 0 : i32
      %dma_wait3A_249 = tpu.memref_slice %arg2[%add3A, %dma_wait3A_247, %dma_wait3A_248] : memref<32x4x128xi32, #tpu.memory_space<hbm>> -> memref<1x4x128xi32, #tpu.memory_space<hbm>>
      %dma_wait3A_250 = tpu.memref_squeeze %dma_wait3A_249 : memref<1x4x128xi32, #tpu.memory_space<hbm>> -> memref<4x128xi32, #tpu.memory_space<hbm>>
      %dma_wait3A_251 = arith.constant 0 : i32
      %dma_wait3A_252 = arith.constant 0 : i32
      %dma_wait3A_253 = tpu.memref_slice %arg2[%add3A, %dma_wait3A_251, %dma_wait3A_252] : memref<32x4x128xi32, #tpu.memory_space<hbm>> -> memref<1x4x128xi32, #tpu.memory_space<hbm>>
      %dma_wait3A_254 = tpu.memref_squeeze %dma_wait3A_253 : memref<1x4x128xi32, #tpu.memory_space<hbm>> -> memref<4x128xi32, #tpu.memory_space<hbm>>
      tpu.wait_dma2 semaphore(%run_scoped3A : memref<!tpu.dma_semaphore, #tpu.memory_space<semaphore_mem>>) src(%dma_wait3A_254 : memref<4x128xi32, #tpu.memory_space<hbm>>) dst(%arg10 : memref<4x128xi32, #tpu.memory_space<vmem>>)
      tpu.yield
    }) : () -> ()
    "tpu.region"() ({
      %run_scoped3A = tpu.sem_alloc : memref<!tpu.dma_semaphore, #tpu.memory_space<semaphore_mem>>
      %dma_start3A_239 = arith.constant 0 : i32
      %dma_start3A_240 = arith.constant 0 : i32
      %dma_start3A_241 = tpu.memref_slice %arg3[%add3A, %dma_start3A_239, %dma_start3A_240] : memref<32x4x128xi32, #tpu.memory_space<hbm>> -> memref<1x4x128xi32, #tpu.memory_space<hbm>>
      %dma_start3A_242 = tpu.memref_squeeze %dma_start3A_241 : memref<1x4x128xi32, #tpu.memory_space<hbm>> -> memref<4x128xi32, #tpu.memory_space<hbm>>
      %dma_start3A_243 = arith.constant 0 : i32
      %dma_start3A_244 = arith.constant 0 : i32
      %dma_start3A_245 = tpu.memref_slice %arg3[%add3A, %dma_start3A_243, %dma_start3A_244] : memref<32x4x128xi32, #tpu.memory_space<hbm>> -> memref<1x4x128xi32, #tpu.memory_space<hbm>>
      %dma_start3A_246 = tpu.memref_squeeze %dma_start3A_245 : memref<1x4x128xi32, #tpu.memory_space<hbm>> -> memref<4x128xi32, #tpu.memory_space<hbm>>
      tpu.enqueue_dma source(%dma_start3A_246 : memref<4x128xi32, #tpu.memory_space<hbm>>) target(%arg11 : memref<4x128xi32, #tpu.memory_space<vmem>>) target_semaphore(%run_scoped3A : memref<!tpu.dma_semaphore, #tpu.memory_space<semaphore_mem>>)
      %dma_wait3A_247 = arith.constant 0 : i32
      %dma_wait3A_248 = arith.constant 0 : i32
      %dma_wait3A_249 = tpu.memref_slice %arg3[%add3A, %dma_wait3A_247, %dma_wait3A_248] : memref<32x4x128xi32, #tpu.memory_space<hbm>> -> memref<1x4x128xi32, #tpu.memory_space<hbm>>
      %dma_wait3A_250 = tpu.memref_squeeze %dma_wait3A_249 : memref<1x4x128xi32, #tpu.memory_space<hbm>> -> memref<4x128xi32, #tpu.memory_space<hbm>>
      %dma_wait3A_251 = arith.constant 0 : i32
      %dma_wait3A_252 = arith.constant 0 : i32
      %dma_wait3A_253 = tpu.memref_slice %arg3[%add3A, %dma_wait3A_251, %dma_wait3A_252] : memref<32x4x128xi32, #tpu.memory_space<hbm>> -> memref<1x4x128xi32, #tpu.memory_space<hbm>>
      %dma_wait3A_254 = tpu.memref_squeeze %dma_wait3A_253 : memref<1x4x128xi32, #tpu.memory_space<hbm>> -> memref<4x128xi32, #tpu.memory_space<hbm>>
      tpu.wait_dma2 semaphore(%run_scoped3A : memref<!tpu.dma_semaphore, #tpu.memory_space<semaphore_mem>>) src(%dma_wait3A_254 : memref<4x128xi32, #tpu.memory_space<hbm>>) dst(%arg11 : memref<4x128xi32, #tpu.memory_space<vmem>>)
      tpu.yield
    }) : () -> ()
    "tpu.region"() ({
      %run_scoped3A = tpu.sem_alloc : memref<!tpu.dma_semaphore, #tpu.memory_space<semaphore_mem>>
      %dma_start3A_239 = arith.constant 0 : i32
      %dma_start3A_240 = arith.constant 0 : i32
      %dma_start3A_241 = tpu.memref_slice %arg4[%add3A, %dma_start3A_239, %dma_start3A_240] : memref<32x4x128xi32, #tpu.memory_space<hbm>> -> memref<1x4x128xi32, #tpu.memory_space<hbm>>
      %dma_start3A_242 = tpu.memref_squeeze %dma_start3A_241 : memref<1x4x128xi32, #tpu.memory_space<hbm>> -> memref<4x128xi32, #tpu.memory_space<hbm>>
      %dma_start3A_243 = arith.constant 0 : i32
      %dma_start3A_244 = arith.constant 0 : i32
      %dma_start3A_245 = tpu.memref_slice %arg4[%add3A, %dma_start3A_243, %dma_start3A_244] : memref<32x4x128xi32, #tpu.memory_space<hbm>> -> memref<1x4x128xi32, #tpu.memory_space<hbm>>
      %dma_start3A_246 = tpu.memref_squeeze %dma_start3A_245 : memref<1x4x128xi32, #tpu.memory_space<hbm>> -> memref<4x128xi32, #tpu.memory_space<hbm>>
      tpu.enqueue_dma source(%dma_start3A_246 : memref<4x128xi32, #tpu.memory_space<hbm>>) target(%arg12 : memref<4x128xi32, #tpu.memory_space<vmem>>) target_semaphore(%run_scoped3A : memref<!tpu.dma_semaphore, #tpu.memory_space<semaphore_mem>>)
      %dma_wait3A_247 = arith.constant 0 : i32
      %dma_wait3A_248 = arith.constant 0 : i32
      %dma_wait3A_249 = tpu.memref_slice %arg4[%add3A, %dma_wait3A_247, %dma_wait3A_248] : memref<32x4x128xi32, #tpu.memory_space<hbm>> -> memref<1x4x128xi32, #tpu.memory_space<hbm>>
      %dma_wait3A_250 = tpu.memref_squeeze %dma_wait3A_249 : memref<1x4x128xi32, #tpu.memory_space<hbm>> -> memref<4x128xi32, #tpu.memory_space<hbm>>
      %dma_wait3A_251 = arith.constant 0 : i32
      %dma_wait3A_252 = arith.constant 0 : i32
      %dma_wait3A_253 = tpu.memref_slice %arg4[%add3A, %dma_wait3A_251, %dma_wait3A_252] : memref<32x4x128xi32, #tpu.memory_space<hbm>> -> memref<1x4x128xi32, #tpu.memory_space<hbm>>
      %dma_wait3A_254 = tpu.memref_squeeze %dma_wait3A_253 : memref<1x4x128xi32, #tpu.memory_space<hbm>> -> memref<4x128xi32, #tpu.memory_space<hbm>>
      tpu.wait_dma2 semaphore(%run_scoped3A : memref<!tpu.dma_semaphore, #tpu.memory_space<semaphore_mem>>) src(%dma_wait3A_254 : memref<4x128xi32, #tpu.memory_space<hbm>>) dst(%arg12 : memref<4x128xi32, #tpu.memory_space<vmem>>)
      tpu.yield
    }) : () -> ()
    %dma_start3A = arith.constant 0 : i32
    %dma_start3A_1 = arith.constant 0 : i32
    %dma_start3A_2 = arith.constant 0 : i32
    %dma_start3A_3 = tpu.memref_slice %arg13[%dma_start3A_1, %dma_start3A_2] : memref<512x64xf32, #tpu.memory_space<vmem>> -> memref<128x64xf32, #tpu.memory_space<vmem>>
    %dma_start3A_4 = arith.constant 0 : i32
    %dma_start3A_5 = tpu.memref_slice %arg10[%dma_start3A, %dma_start3A_4] : memref<4x128xi32, #tpu.memory_space<vmem>> -> memref<1x128xi32, #tpu.memory_space<vmem>>
    %dma_start3A_6 = tpu.memref_squeeze %dma_start3A_5 : memref<1x128xi32, #tpu.memory_space<vmem>> -> memref<128xi32, #tpu.memory_space<vmem>>
    %dma_start3A_7 = arith.constant 0 : i32
    %dma_start3A_8 = arith.constant 0 : i32
    %dma_start3A_9 = tpu.memref_slice %arg5[%dma_start3A_7, %dma_start3A_8] : memref<1000000x64xf32, #tpu.memory_space<hbm>> -> memref<1000000x64xf32, #tpu.memory_space<hbm>>
    tpu.enqueue_indirect_dma source(%dma_start3A_9 : memref<1000000x64xf32, #tpu.memory_space<hbm>>) target(%dma_start3A_3 : memref<128x64xf32, #tpu.memory_space<vmem>>) offsets(%dma_start3A_6 : memref<128xi32, #tpu.memory_space<vmem>>) semaphore(%arg16 : memref<!tpu.dma_semaphore, #tpu.memory_space<semaphore_mem>>)
    %dma_start3A_10 = arith.constant 1 : i32
    %dma_start3A_11 = arith.constant 128 : i32
    %dma_start3A_12 = arith.constant 0 : i32
    %dma_start3A_13 = tpu.memref_slice %arg13[%dma_start3A_11, %dma_start3A_12] : memref<512x64xf32, #tpu.memory_space<vmem>> -> memref<128x64xf32, #tpu.memory_space<vmem>>
    %dma_start3A_14 = arith.constant 0 : i32
    %dma_start3A_15 = tpu.memref_slice %arg10[%dma_start3A_10, %dma_start3A_14] : memref<4x128xi32, #tpu.memory_space<vmem>> -> memref<1x128xi32, #tpu.memory_space<vmem>>
    %dma_start3A_16 = tpu.memref_squeeze %dma_start3A_15 : memref<1x128xi32, #tpu.memory_space<vmem>> -> memref<128xi32, #tpu.memory_space<vmem>>
    %dma_start3A_17 = arith.constant 0 : i32
    %dma_start3A_18 = arith.constant 0 : i32
    %dma_start3A_19 = tpu.memref_slice %arg5[%dma_start3A_17, %dma_start3A_18] : memref<1000000x64xf32, #tpu.memory_space<hbm>> -> memref<1000000x64xf32, #tpu.memory_space<hbm>>
    tpu.enqueue_indirect_dma source(%dma_start3A_19 : memref<1000000x64xf32, #tpu.memory_space<hbm>>) target(%dma_start3A_13 : memref<128x64xf32, #tpu.memory_space<vmem>>) offsets(%dma_start3A_16 : memref<128xi32, #tpu.memory_space<vmem>>) semaphore(%arg16 : memref<!tpu.dma_semaphore, #tpu.memory_space<semaphore_mem>>)
    %dma_start3A_20 = arith.constant 2 : i32
    %dma_start3A_21 = arith.constant 256 : i32
    %dma_start3A_22 = arith.constant 0 : i32
    %dma_start3A_23 = tpu.memref_slice %arg13[%dma_start3A_21, %dma_start3A_22] : memref<512x64xf32, #tpu.memory_space<vmem>> -> memref<128x64xf32, #tpu.memory_space<vmem>>
    %dma_start3A_24 = arith.constant 0 : i32
    %dma_start3A_25 = tpu.memref_slice %arg10[%dma_start3A_20, %dma_start3A_24] : memref<4x128xi32, #tpu.memory_space<vmem>> -> memref<1x128xi32, #tpu.memory_space<vmem>>
    %dma_start3A_26 = tpu.memref_squeeze %dma_start3A_25 : memref<1x128xi32, #tpu.memory_space<vmem>> -> memref<128xi32, #tpu.memory_space<vmem>>
    %dma_start3A_27 = arith.constant 0 : i32
    %dma_start3A_28 = arith.constant 0 : i32
    %dma_start3A_29 = tpu.memref_slice %arg5[%dma_start3A_27, %dma_start3A_28] : memref<1000000x64xf32, #tpu.memory_space<hbm>> -> memref<1000000x64xf32, #tpu.memory_space<hbm>>
    tpu.enqueue_indirect_dma source(%dma_start3A_29 : memref<1000000x64xf32, #tpu.memory_space<hbm>>) target(%dma_start3A_23 : memref<128x64xf32, #tpu.memory_space<vmem>>) offsets(%dma_start3A_26 : memref<128xi32, #tpu.memory_space<vmem>>) semaphore(%arg16 : memref<!tpu.dma_semaphore, #tpu.memory_space<semaphore_mem>>)
    %dma_start3A_30 = arith.constant 3 : i32
    %dma_start3A_31 = arith.constant 384 : i32
    %dma_start3A_32 = arith.constant 0 : i32
    %dma_start3A_33 = tpu.memref_slice %arg13[%dma_start3A_31, %dma_start3A_32] : memref<512x64xf32, #tpu.memory_space<vmem>> -> memref<128x64xf32, #tpu.memory_space<vmem>>
    %dma_start3A_34 = arith.constant 0 : i32
    %dma_start3A_35 = tpu.memref_slice %arg10[%dma_start3A_30, %dma_start3A_34] : memref<4x128xi32, #tpu.memory_space<vmem>> -> memref<1x128xi32, #tpu.memory_space<vmem>>
    %dma_start3A_36 = tpu.memref_squeeze %dma_start3A_35 : memref<1x128xi32, #tpu.memory_space<vmem>> -> memref<128xi32, #tpu.memory_space<vmem>>
    %dma_start3A_37 = arith.constant 0 : i32
    %dma_start3A_38 = arith.constant 0 : i32
    %dma_start3A_39 = tpu.memref_slice %arg5[%dma_start3A_37, %dma_start3A_38] : memref<1000000x64xf32, #tpu.memory_space<hbm>> -> memref<1000000x64xf32, #tpu.memory_space<hbm>>
    tpu.enqueue_indirect_dma source(%dma_start3A_39 : memref<1000000x64xf32, #tpu.memory_space<hbm>>) target(%dma_start3A_33 : memref<128x64xf32, #tpu.memory_space<vmem>>) offsets(%dma_start3A_36 : memref<128xi32, #tpu.memory_space<vmem>>) semaphore(%arg16 : memref<!tpu.dma_semaphore, #tpu.memory_space<semaphore_mem>>)
    %dma_start3A_40 = arith.constant 0 : i32
    %dma_start3A_41 = arith.constant 0 : i32
    %dma_start3A_42 = arith.constant 0 : i32
    %dma_start3A_43 = tpu.memref_slice %arg14[%dma_start3A_41, %dma_start3A_42] : memref<512x64xf32, #tpu.memory_space<vmem>> -> memref<128x64xf32, #tpu.memory_space<vmem>>
    %dma_start3A_44 = arith.constant 0 : i32
    %dma_start3A_45 = tpu.memref_slice %arg11[%dma_start3A_40, %dma_start3A_44] : memref<4x128xi32, #tpu.memory_space<vmem>> -> memref<1x128xi32, #tpu.memory_space<vmem>>
    %dma_start3A_46 = tpu.memref_squeeze %dma_start3A_45 : memref<1x128xi32, #tpu.memory_space<vmem>> -> memref<128xi32, #tpu.memory_space<vmem>>
    %dma_start3A_47 = arith.constant 0 : i32
    %dma_start3A_48 = arith.constant 0 : i32
    %dma_start3A_49 = tpu.memref_slice %arg6[%dma_start3A_47, %dma_start3A_48] : memref<1000000x64xf32, #tpu.memory_space<hbm>> -> memref<1000000x64xf32, #tpu.memory_space<hbm>>
    tpu.enqueue_indirect_dma source(%dma_start3A_49 : memref<1000000x64xf32, #tpu.memory_space<hbm>>) target(%dma_start3A_43 : memref<128x64xf32, #tpu.memory_space<vmem>>) offsets(%dma_start3A_46 : memref<128xi32, #tpu.memory_space<vmem>>) semaphore(%arg16 : memref<!tpu.dma_semaphore, #tpu.memory_space<semaphore_mem>>)
    %dma_start3A_50 = arith.constant 1 : i32
    %dma_start3A_51 = arith.constant 128 : i32
    %dma_start3A_52 = arith.constant 0 : i32
    %dma_start3A_53 = tpu.memref_slice %arg14[%dma_start3A_51, %dma_start3A_52] : memref<512x64xf32, #tpu.memory_space<vmem>> -> memref<128x64xf32, #tpu.memory_space<vmem>>
    %dma_start3A_54 = arith.constant 0 : i32
    %dma_start3A_55 = tpu.memref_slice %arg11[%dma_start3A_50, %dma_start3A_54] : memref<4x128xi32, #tpu.memory_space<vmem>> -> memref<1x128xi32, #tpu.memory_space<vmem>>
    %dma_start3A_56 = tpu.memref_squeeze %dma_start3A_55 : memref<1x128xi32, #tpu.memory_space<vmem>> -> memref<128xi32, #tpu.memory_space<vmem>>
    %dma_start3A_57 = arith.constant 0 : i32
    %dma_start3A_58 = arith.constant 0 : i32
    %dma_start3A_59 = tpu.memref_slice %arg6[%dma_start3A_57, %dma_start3A_58] : memref<1000000x64xf32, #tpu.memory_space<hbm>> -> memref<1000000x64xf32, #tpu.memory_space<hbm>>
    tpu.enqueue_indirect_dma source(%dma_start3A_59 : memref<1000000x64xf32, #tpu.memory_space<hbm>>) target(%dma_start3A_53 : memref<128x64xf32, #tpu.memory_space<vmem>>) offsets(%dma_start3A_56 : memref<128xi32, #tpu.memory_space<vmem>>) semaphore(%arg16 : memref<!tpu.dma_semaphore, #tpu.memory_space<semaphore_mem>>)
    %dma_start3A_60 = arith.constant 2 : i32
    %dma_start3A_61 = arith.constant 256 : i32
    %dma_start3A_62 = arith.constant 0 : i32
    %dma_start3A_63 = tpu.memref_slice %arg14[%dma_start3A_61, %dma_start3A_62] : memref<512x64xf32, #tpu.memory_space<vmem>> -> memref<128x64xf32, #tpu.memory_space<vmem>>
    %dma_start3A_64 = arith.constant 0 : i32
    %dma_start3A_65 = tpu.memref_slice %arg11[%dma_start3A_60, %dma_start3A_64] : memref<4x128xi32, #tpu.memory_space<vmem>> -> memref<1x128xi32, #tpu.memory_space<vmem>>
    %dma_start3A_66 = tpu.memref_squeeze %dma_start3A_65 : memref<1x128xi32, #tpu.memory_space<vmem>> -> memref<128xi32, #tpu.memory_space<vmem>>
    %dma_start3A_67 = arith.constant 0 : i32
    %dma_start3A_68 = arith.constant 0 : i32
    %dma_start3A_69 = tpu.memref_slice %arg6[%dma_start3A_67, %dma_start3A_68] : memref<1000000x64xf32, #tpu.memory_space<hbm>> -> memref<1000000x64xf32, #tpu.memory_space<hbm>>
    tpu.enqueue_indirect_dma source(%dma_start3A_69 : memref<1000000x64xf32, #tpu.memory_space<hbm>>) target(%dma_start3A_63 : memref<128x64xf32, #tpu.memory_space<vmem>>) offsets(%dma_start3A_66 : memref<128xi32, #tpu.memory_space<vmem>>) semaphore(%arg16 : memref<!tpu.dma_semaphore, #tpu.memory_space<semaphore_mem>>)
    %dma_start3A_70 = arith.constant 3 : i32
    %dma_start3A_71 = arith.constant 384 : i32
    %dma_start3A_72 = arith.constant 0 : i32
    %dma_start3A_73 = tpu.memref_slice %arg14[%dma_start3A_71, %dma_start3A_72] : memref<512x64xf32, #tpu.memory_space<vmem>> -> memref<128x64xf32, #tpu.memory_space<vmem>>
    %dma_start3A_74 = arith.constant 0 : i32
    %dma_start3A_75 = tpu.memref_slice %arg11[%dma_start3A_70, %dma_start3A_74] : memref<4x128xi32, #tpu.memory_space<vmem>> -> memref<1x128xi32, #tpu.memory_space<vmem>>
    %dma_start3A_76 = tpu.memref_squeeze %dma_start3A_75 : memref<1x128xi32, #tpu.memory_space<vmem>> -> memref<128xi32, #tpu.memory_space<vmem>>
    %dma_start3A_77 = arith.constant 0 : i32
    %dma_start3A_78 = arith.constant 0 : i32
    %dma_start3A_79 = tpu.memref_slice %arg6[%dma_start3A_77, %dma_start3A_78] : memref<1000000x64xf32, #tpu.memory_space<hbm>> -> memref<1000000x64xf32, #tpu.memory_space<hbm>>
    tpu.enqueue_indirect_dma source(%dma_start3A_79 : memref<1000000x64xf32, #tpu.memory_space<hbm>>) target(%dma_start3A_73 : memref<128x64xf32, #tpu.memory_space<vmem>>) offsets(%dma_start3A_76 : memref<128xi32, #tpu.memory_space<vmem>>) semaphore(%arg16 : memref<!tpu.dma_semaphore, #tpu.memory_space<semaphore_mem>>)
    %dma_start3A_80 = arith.constant 0 : i32
    %dma_start3A_81 = arith.constant 0 : i32
    %dma_start3A_82 = arith.constant 0 : i32
    %dma_start3A_83 = tpu.memref_slice %arg15[%dma_start3A_81, %dma_start3A_82] : memref<512x64xf32, #tpu.memory_space<vmem>> -> memref<128x64xf32, #tpu.memory_space<vmem>>
    %dma_start3A_84 = arith.constant 0 : i32
    %dma_start3A_85 = tpu.memref_slice %arg12[%dma_start3A_80, %dma_start3A_84] : memref<4x128xi32, #tpu.memory_space<vmem>> -> memref<1x128xi32, #tpu.memory_space<vmem>>
    %dma_start3A_86 = tpu.memref_squeeze %dma_start3A_85 : memref<1x128xi32, #tpu.memory_space<vmem>> -> memref<128xi32, #tpu.memory_space<vmem>>
    %dma_start3A_87 = arith.constant 0 : i32
    %dma_start3A_88 = arith.constant 0 : i32
    %dma_start3A_89 = tpu.memref_slice %arg6[%dma_start3A_87, %dma_start3A_88] : memref<1000000x64xf32, #tpu.memory_space<hbm>> -> memref<1000000x64xf32, #tpu.memory_space<hbm>>
    tpu.enqueue_indirect_dma source(%dma_start3A_89 : memref<1000000x64xf32, #tpu.memory_space<hbm>>) target(%dma_start3A_83 : memref<128x64xf32, #tpu.memory_space<vmem>>) offsets(%dma_start3A_86 : memref<128xi32, #tpu.memory_space<vmem>>) semaphore(%arg16 : memref<!tpu.dma_semaphore, #tpu.memory_space<semaphore_mem>>)
    %dma_start3A_90 = arith.constant 1 : i32
    %dma_start3A_91 = arith.constant 128 : i32
    %dma_start3A_92 = arith.constant 0 : i32
    %dma_start3A_93 = tpu.memref_slice %arg15[%dma_start3A_91, %dma_start3A_92] : memref<512x64xf32, #tpu.memory_space<vmem>> -> memref<128x64xf32, #tpu.memory_space<vmem>>
    %dma_start3A_94 = arith.constant 0 : i32
    %dma_start3A_95 = tpu.memref_slice %arg12[%dma_start3A_90, %dma_start3A_94] : memref<4x128xi32, #tpu.memory_space<vmem>> -> memref<1x128xi32, #tpu.memory_space<vmem>>
    %dma_start3A_96 = tpu.memref_squeeze %dma_start3A_95 : memref<1x128xi32, #tpu.memory_space<vmem>> -> memref<128xi32, #tpu.memory_space<vmem>>
    %dma_start3A_97 = arith.constant 0 : i32
    %dma_start3A_98 = arith.constant 0 : i32
    %dma_start3A_99 = tpu.memref_slice %arg6[%dma_start3A_97, %dma_start3A_98] : memref<1000000x64xf32, #tpu.memory_space<hbm>> -> memref<1000000x64xf32, #tpu.memory_space<hbm>>
    tpu.enqueue_indirect_dma source(%dma_start3A_99 : memref<1000000x64xf32, #tpu.memory_space<hbm>>) target(%dma_start3A_93 : memref<128x64xf32, #tpu.memory_space<vmem>>) offsets(%dma_start3A_96 : memref<128xi32, #tpu.memory_space<vmem>>) semaphore(%arg16 : memref<!tpu.dma_semaphore, #tpu.memory_space<semaphore_mem>>)
    %dma_start3A_100 = arith.constant 2 : i32
    %dma_start3A_101 = arith.constant 256 : i32
    %dma_start3A_102 = arith.constant 0 : i32
    %dma_start3A_103 = tpu.memref_slice %arg15[%dma_start3A_101, %dma_start3A_102] : memref<512x64xf32, #tpu.memory_space<vmem>> -> memref<128x64xf32, #tpu.memory_space<vmem>>
    %dma_start3A_104 = arith.constant 0 : i32
    %dma_start3A_105 = tpu.memref_slice %arg12[%dma_start3A_100, %dma_start3A_104] : memref<4x128xi32, #tpu.memory_space<vmem>> -> memref<1x128xi32, #tpu.memory_space<vmem>>
    %dma_start3A_106 = tpu.memref_squeeze %dma_start3A_105 : memref<1x128xi32, #tpu.memory_space<vmem>> -> memref<128xi32, #tpu.memory_space<vmem>>
    %dma_start3A_107 = arith.constant 0 : i32
    %dma_start3A_108 = arith.constant 0 : i32
    %dma_start3A_109 = tpu.memref_slice %arg6[%dma_start3A_107, %dma_start3A_108] : memref<1000000x64xf32, #tpu.memory_space<hbm>> -> memref<1000000x64xf32, #tpu.memory_space<hbm>>
    tpu.enqueue_indirect_dma source(%dma_start3A_109 : memref<1000000x64xf32, #tpu.memory_space<hbm>>) target(%dma_start3A_103 : memref<128x64xf32, #tpu.memory_space<vmem>>) offsets(%dma_start3A_106 : memref<128xi32, #tpu.memory_space<vmem>>) semaphore(%arg16 : memref<!tpu.dma_semaphore, #tpu.memory_space<semaphore_mem>>)
    %dma_start3A_110 = arith.constant 3 : i32
    %dma_start3A_111 = arith.constant 384 : i32
    %dma_start3A_112 = arith.constant 0 : i32
    %dma_start3A_113 = tpu.memref_slice %arg15[%dma_start3A_111, %dma_start3A_112] : memref<512x64xf32, #tpu.memory_space<vmem>> -> memref<128x64xf32, #tpu.memory_space<vmem>>
    %dma_start3A_114 = arith.constant 0 : i32
    %dma_start3A_115 = tpu.memref_slice %arg12[%dma_start3A_110, %dma_start3A_114] : memref<4x128xi32, #tpu.memory_space<vmem>> -> memref<1x128xi32, #tpu.memory_space<vmem>>
    %dma_start3A_116 = tpu.memref_squeeze %dma_start3A_115 : memref<1x128xi32, #tpu.memory_space<vmem>> -> memref<128xi32, #tpu.memory_space<vmem>>
    %dma_start3A_117 = arith.constant 0 : i32
    %dma_start3A_118 = arith.constant 0 : i32
    %dma_start3A_119 = tpu.memref_slice %arg6[%dma_start3A_117, %dma_start3A_118] : memref<1000000x64xf32, #tpu.memory_space<hbm>> -> memref<1000000x64xf32, #tpu.memory_space<hbm>>
    tpu.enqueue_indirect_dma source(%dma_start3A_119 : memref<1000000x64xf32, #tpu.memory_space<hbm>>) target(%dma_start3A_113 : memref<128x64xf32, #tpu.memory_space<vmem>>) offsets(%dma_start3A_116 : memref<128xi32, #tpu.memory_space<vmem>>) semaphore(%arg16 : memref<!tpu.dma_semaphore, #tpu.memory_space<semaphore_mem>>)
    %dma_wait3A = arith.constant 0 : i32
    %dma_wait3A_120 = arith.constant 0 : i32
    %dma_wait3A_121 = arith.constant 0 : i32
    %dma_wait3A_122 = tpu.memref_slice %arg13[%dma_wait3A_120, %dma_wait3A_121] : memref<512x64xf32, #tpu.memory_space<vmem>> -> memref<128x64xf32, #tpu.memory_space<vmem>>
    %dma_wait3A_123 = arith.constant 0 : i32
    %dma_wait3A_124 = tpu.memref_slice %arg10[%dma_wait3A, %dma_wait3A_123] : memref<4x128xi32, #tpu.memory_space<vmem>> -> memref<1x128xi32, #tpu.memory_space<vmem>>
    %dma_wait3A_125 = tpu.memref_squeeze %dma_wait3A_124 : memref<1x128xi32, #tpu.memory_space<vmem>> -> memref<128xi32, #tpu.memory_space<vmem>>
    %dma_wait3A_126 = arith.constant 0 : i32
    %dma_wait3A_127 = arith.constant 0 : i32
    %dma_wait3A_128 = tpu.memref_slice %arg5[%dma_wait3A_126, %dma_wait3A_127] : memref<1000000x64xf32, #tpu.memory_space<hbm>> -> memref<1000000x64xf32, #tpu.memory_space<hbm>>
    tpu.wait_indirect_dma semaphore(%arg16 : memref<!tpu.dma_semaphore, #tpu.memory_space<semaphore_mem>>) src(%dma_wait3A_128 : memref<1000000x64xf32, #tpu.memory_space<hbm>>) dst(%dma_wait3A_122 : memref<128x64xf32, #tpu.memory_space<vmem>>)
    %dma_wait3A_129 = arith.constant 1 : i32
    %dma_wait3A_130 = arith.constant 128 : i32
    %dma_wait3A_131 = arith.constant 0 : i32
    %dma_wait3A_132 = tpu.memref_slice %arg13[%dma_wait3A_130, %dma_wait3A_131] : memref<512x64xf32, #tpu.memory_space<vmem>> -> memref<128x64xf32, #tpu.memory_space<vmem>>
    %dma_wait3A_133 = arith.constant 0 : i32
    %dma_wait3A_134 = tpu.memref_slice %arg10[%dma_wait3A_129, %dma_wait3A_133] : memref<4x128xi32, #tpu.memory_space<vmem>> -> memref<1x128xi32, #tpu.memory_space<vmem>>
    %dma_wait3A_135 = tpu.memref_squeeze %dma_wait3A_134 : memref<1x128xi32, #tpu.memory_space<vmem>> -> memref<128xi32, #tpu.memory_space<vmem>>
    %dma_wait3A_136 = arith.constant 0 : i32
    %dma_wait3A_137 = arith.constant 0 : i32
    %dma_wait3A_138 = tpu.memref_slice %arg5[%dma_wait3A_136, %dma_wait3A_137] : memref<1000000x64xf32, #tpu.memory_space<hbm>> -> memref<1000000x64xf32, #tpu.memory_space<hbm>>
    tpu.wait_indirect_dma semaphore(%arg16 : memref<!tpu.dma_semaphore, #tpu.memory_space<semaphore_mem>>) src(%dma_wait3A_138 : memref<1000000x64xf32, #tpu.memory_space<hbm>>) dst(%dma_wait3A_132 : memref<128x64xf32, #tpu.memory_space<vmem>>)
    %dma_wait3A_139 = arith.constant 2 : i32
    %dma_wait3A_140 = arith.constant 256 : i32
    %dma_wait3A_141 = arith.constant 0 : i32
    %dma_wait3A_142 = tpu.memref_slice %arg13[%dma_wait3A_140, %dma_wait3A_141] : memref<512x64xf32, #tpu.memory_space<vmem>> -> memref<128x64xf32, #tpu.memory_space<vmem>>
    %dma_wait3A_143 = arith.constant 0 : i32
    %dma_wait3A_144 = tpu.memref_slice %arg10[%dma_wait3A_139, %dma_wait3A_143] : memref<4x128xi32, #tpu.memory_space<vmem>> -> memref<1x128xi32, #tpu.memory_space<vmem>>
    %dma_wait3A_145 = tpu.memref_squeeze %dma_wait3A_144 : memref<1x128xi32, #tpu.memory_space<vmem>> -> memref<128xi32, #tpu.memory_space<vmem>>
    %dma_wait3A_146 = arith.constant 0 : i32
    %dma_wait3A_147 = arith.constant 0 : i32
    %dma_wait3A_148 = tpu.memref_slice %arg5[%dma_wait3A_146, %dma_wait3A_147] : memref<1000000x64xf32, #tpu.memory_space<hbm>> -> memref<1000000x64xf32, #tpu.memory_space<hbm>>
    tpu.wait_indirect_dma semaphore(%arg16 : memref<!tpu.dma_semaphore, #tpu.memory_space<semaphore_mem>>) src(%dma_wait3A_148 : memref<1000000x64xf32, #tpu.memory_space<hbm>>) dst(%dma_wait3A_142 : memref<128x64xf32, #tpu.memory_space<vmem>>)
    %dma_wait3A_149 = arith.constant 3 : i32
    %dma_wait3A_150 = arith.constant 384 : i32
    %dma_wait3A_151 = arith.constant 0 : i32
    %dma_wait3A_152 = tpu.memref_slice %arg13[%dma_wait3A_150, %dma_wait3A_151] : memref<512x64xf32, #tpu.memory_space<vmem>> -> memref<128x64xf32, #tpu.memory_space<vmem>>
    %dma_wait3A_153 = arith.constant 0 : i32
    %dma_wait3A_154 = tpu.memref_slice %arg10[%dma_wait3A_149, %dma_wait3A_153] : memref<4x128xi32, #tpu.memory_space<vmem>> -> memref<1x128xi32, #tpu.memory_space<vmem>>
    %dma_wait3A_155 = tpu.memref_squeeze %dma_wait3A_154 : memref<1x128xi32, #tpu.memory_space<vmem>> -> memref<128xi32, #tpu.memory_space<vmem>>
    %dma_wait3A_156 = arith.constant 0 : i32
    %dma_wait3A_157 = arith.constant 0 : i32
    %dma_wait3A_158 = tpu.memref_slice %arg5[%dma_wait3A_156, %dma_wait3A_157] : memref<1000000x64xf32, #tpu.memory_space<hbm>> -> memref<1000000x64xf32, #tpu.memory_space<hbm>>
    tpu.wait_indirect_dma semaphore(%arg16 : memref<!tpu.dma_semaphore, #tpu.memory_space<semaphore_mem>>) src(%dma_wait3A_158 : memref<1000000x64xf32, #tpu.memory_space<hbm>>) dst(%dma_wait3A_152 : memref<128x64xf32, #tpu.memory_space<vmem>>)
    %dma_wait3A_159 = arith.constant 0 : i32
    %dma_wait3A_160 = arith.constant 0 : i32
    %dma_wait3A_161 = arith.constant 0 : i32
    %dma_wait3A_162 = tpu.memref_slice %arg14[%dma_wait3A_160, %dma_wait3A_161] : memref<512x64xf32, #tpu.memory_space<vmem>> -> memref<128x64xf32, #tpu.memory_space<vmem>>
    %dma_wait3A_163 = arith.constant 0 : i32
    %dma_wait3A_164 = tpu.memref_slice %arg11[%dma_wait3A_159, %dma_wait3A_163] : memref<4x128xi32, #tpu.memory_space<vmem>> -> memref<1x128xi32, #tpu.memory_space<vmem>>
    %dma_wait3A_165 = tpu.memref_squeeze %dma_wait3A_164 : memref<1x128xi32, #tpu.memory_space<vmem>> -> memref<128xi32, #tpu.memory_space<vmem>>
    %dma_wait3A_166 = arith.constant 0 : i32
    %dma_wait3A_167 = arith.constant 0 : i32
    %dma_wait3A_168 = tpu.memref_slice %arg6[%dma_wait3A_166, %dma_wait3A_167] : memref<1000000x64xf32, #tpu.memory_space<hbm>> -> memref<1000000x64xf32, #tpu.memory_space<hbm>>
    tpu.wait_indirect_dma semaphore(%arg16 : memref<!tpu.dma_semaphore, #tpu.memory_space<semaphore_mem>>) src(%dma_wait3A_168 : memref<1000000x64xf32, #tpu.memory_space<hbm>>) dst(%dma_wait3A_162 : memref<128x64xf32, #tpu.memory_space<vmem>>)
    %dma_wait3A_169 = arith.constant 1 : i32
    %dma_wait3A_170 = arith.constant 128 : i32
    %dma_wait3A_171 = arith.constant 0 : i32
    %dma_wait3A_172 = tpu.memref_slice %arg14[%dma_wait3A_170, %dma_wait3A_171] : memref<512x64xf32, #tpu.memory_space<vmem>> -> memref<128x64xf32, #tpu.memory_space<vmem>>
    %dma_wait3A_173 = arith.constant 0 : i32
    %dma_wait3A_174 = tpu.memref_slice %arg11[%dma_wait3A_169, %dma_wait3A_173] : memref<4x128xi32, #tpu.memory_space<vmem>> -> memref<1x128xi32, #tpu.memory_space<vmem>>
    %dma_wait3A_175 = tpu.memref_squeeze %dma_wait3A_174 : memref<1x128xi32, #tpu.memory_space<vmem>> -> memref<128xi32, #tpu.memory_space<vmem>>
    %dma_wait3A_176 = arith.constant 0 : i32
    %dma_wait3A_177 = arith.constant 0 : i32
    %dma_wait3A_178 = tpu.memref_slice %arg6[%dma_wait3A_176, %dma_wait3A_177] : memref<1000000x64xf32, #tpu.memory_space<hbm>> -> memref<1000000x64xf32, #tpu.memory_space<hbm>>
    tpu.wait_indirect_dma semaphore(%arg16 : memref<!tpu.dma_semaphore, #tpu.memory_space<semaphore_mem>>) src(%dma_wait3A_178 : memref<1000000x64xf32, #tpu.memory_space<hbm>>) dst(%dma_wait3A_172 : memref<128x64xf32, #tpu.memory_space<vmem>>)
    %dma_wait3A_179 = arith.constant 2 : i32
    %dma_wait3A_180 = arith.constant 256 : i32
    %dma_wait3A_181 = arith.constant 0 : i32
    %dma_wait3A_182 = tpu.memref_slice %arg14[%dma_wait3A_180, %dma_wait3A_181] : memref<512x64xf32, #tpu.memory_space<vmem>> -> memref<128x64xf32, #tpu.memory_space<vmem>>
    %dma_wait3A_183 = arith.constant 0 : i32
    %dma_wait3A_184 = tpu.memref_slice %arg11[%dma_wait3A_179, %dma_wait3A_183] : memref<4x128xi32, #tpu.memory_space<vmem>> -> memref<1x128xi32, #tpu.memory_space<vmem>>
    %dma_wait3A_185 = tpu.memref_squeeze %dma_wait3A_184 : memref<1x128xi32, #tpu.memory_space<vmem>> -> memref<128xi32, #tpu.memory_space<vmem>>
    %dma_wait3A_186 = arith.constant 0 : i32
    %dma_wait3A_187 = arith.constant 0 : i32
    %dma_wait3A_188 = tpu.memref_slice %arg6[%dma_wait3A_186, %dma_wait3A_187] : memref<1000000x64xf32, #tpu.memory_space<hbm>> -> memref<1000000x64xf32, #tpu.memory_space<hbm>>
    tpu.wait_indirect_dma semaphore(%arg16 : memref<!tpu.dma_semaphore, #tpu.memory_space<semaphore_mem>>) src(%dma_wait3A_188 : memref<1000000x64xf32, #tpu.memory_space<hbm>>) dst(%dma_wait3A_182 : memref<128x64xf32, #tpu.memory_space<vmem>>)
    %dma_wait3A_189 = arith.constant 3 : i32
    %dma_wait3A_190 = arith.constant 384 : i32
    %dma_wait3A_191 = arith.constant 0 : i32
    %dma_wait3A_192 = tpu.memref_slice %arg14[%dma_wait3A_190, %dma_wait3A_191] : memref<512x64xf32, #tpu.memory_space<vmem>> -> memref<128x64xf32, #tpu.memory_space<vmem>>
    %dma_wait3A_193 = arith.constant 0 : i32
    %dma_wait3A_194 = tpu.memref_slice %arg11[%dma_wait3A_189, %dma_wait3A_193] : memref<4x128xi32, #tpu.memory_space<vmem>> -> memref<1x128xi32, #tpu.memory_space<vmem>>
    %dma_wait3A_195 = tpu.memref_squeeze %dma_wait3A_194 : memref<1x128xi32, #tpu.memory_space<vmem>> -> memref<128xi32, #tpu.memory_space<vmem>>
    %dma_wait3A_196 = arith.constant 0 : i32
    %dma_wait3A_197 = arith.constant 0 : i32
    %dma_wait3A_198 = tpu.memref_slice %arg6[%dma_wait3A_196, %dma_wait3A_197] : memref<1000000x64xf32, #tpu.memory_space<hbm>> -> memref<1000000x64xf32, #tpu.memory_space<hbm>>
    tpu.wait_indirect_dma semaphore(%arg16 : memref<!tpu.dma_semaphore, #tpu.memory_space<semaphore_mem>>) src(%dma_wait3A_198 : memref<1000000x64xf32, #tpu.memory_space<hbm>>) dst(%dma_wait3A_192 : memref<128x64xf32, #tpu.memory_space<vmem>>)
    %dma_wait3A_199 = arith.constant 0 : i32
    %dma_wait3A_200 = arith.constant 0 : i32
    %dma_wait3A_201 = arith.constant 0 : i32
    %dma_wait3A_202 = tpu.memref_slice %arg15[%dma_wait3A_200, %dma_wait3A_201] : memref<512x64xf32, #tpu.memory_space<vmem>> -> memref<128x64xf32, #tpu.memory_space<vmem>>
    %dma_wait3A_203 = arith.constant 0 : i32
    %dma_wait3A_204 = tpu.memref_slice %arg12[%dma_wait3A_199, %dma_wait3A_203] : memref<4x128xi32, #tpu.memory_space<vmem>> -> memref<1x128xi32, #tpu.memory_space<vmem>>
    %dma_wait3A_205 = tpu.memref_squeeze %dma_wait3A_204 : memref<1x128xi32, #tpu.memory_space<vmem>> -> memref<128xi32, #tpu.memory_space<vmem>>
    %dma_wait3A_206 = arith.constant 0 : i32
    %dma_wait3A_207 = arith.constant 0 : i32
    %dma_wait3A_208 = tpu.memref_slice %arg6[%dma_wait3A_206, %dma_wait3A_207] : memref<1000000x64xf32, #tpu.memory_space<hbm>> -> memref<1000000x64xf32, #tpu.memory_space<hbm>>
    tpu.wait_indirect_dma semaphore(%arg16 : memref<!tpu.dma_semaphore, #tpu.memory_space<semaphore_mem>>) src(%dma_wait3A_208 : memref<1000000x64xf32, #tpu.memory_space<hbm>>) dst(%dma_wait3A_202 : memref<128x64xf32, #tpu.memory_space<vmem>>)
    %dma_wait3A_209 = arith.constant 1 : i32
    %dma_wait3A_210 = arith.constant 128 : i32
    %dma_wait3A_211 = arith.constant 0 : i32
    %dma_wait3A_212 = tpu.memref_slice %arg15[%dma_wait3A_210, %dma_wait3A_211] : memref<512x64xf32, #tpu.memory_space<vmem>> -> memref<128x64xf32, #tpu.memory_space<vmem>>
    %dma_wait3A_213 = arith.constant 0 : i32
    %dma_wait3A_214 = tpu.memref_slice %arg12[%dma_wait3A_209, %dma_wait3A_213] : memref<4x128xi32, #tpu.memory_space<vmem>> -> memref<1x128xi32, #tpu.memory_space<vmem>>
    %dma_wait3A_215 = tpu.memref_squeeze %dma_wait3A_214 : memref<1x128xi32, #tpu.memory_space<vmem>> -> memref<128xi32, #tpu.memory_space<vmem>>
    %dma_wait3A_216 = arith.constant 0 : i32
    %dma_wait3A_217 = arith.constant 0 : i32
    %dma_wait3A_218 = tpu.memref_slice %arg6[%dma_wait3A_216, %dma_wait3A_217] : memref<1000000x64xf32, #tpu.memory_space<hbm>> -> memref<1000000x64xf32, #tpu.memory_space<hbm>>
    tpu.wait_indirect_dma semaphore(%arg16 : memref<!tpu.dma_semaphore, #tpu.memory_space<semaphore_mem>>) src(%dma_wait3A_218 : memref<1000000x64xf32, #tpu.memory_space<hbm>>) dst(%dma_wait3A_212 : memref<128x64xf32, #tpu.memory_space<vmem>>)
    %dma_wait3A_219 = arith.constant 2 : i32
    %dma_wait3A_220 = arith.constant 256 : i32
    %dma_wait3A_221 = arith.constant 0 : i32
    %dma_wait3A_222 = tpu.memref_slice %arg15[%dma_wait3A_220, %dma_wait3A_221] : memref<512x64xf32, #tpu.memory_space<vmem>> -> memref<128x64xf32, #tpu.memory_space<vmem>>
    %dma_wait3A_223 = arith.constant 0 : i32
    %dma_wait3A_224 = tpu.memref_slice %arg12[%dma_wait3A_219, %dma_wait3A_223] : memref<4x128xi32, #tpu.memory_space<vmem>> -> memref<1x128xi32, #tpu.memory_space<vmem>>
    %dma_wait3A_225 = tpu.memref_squeeze %dma_wait3A_224 : memref<1x128xi32, #tpu.memory_space<vmem>> -> memref<128xi32, #tpu.memory_space<vmem>>
    %dma_wait3A_226 = arith.constant 0 : i32
    %dma_wait3A_227 = arith.constant 0 : i32
    %dma_wait3A_228 = tpu.memref_slice %arg6[%dma_wait3A_226, %dma_wait3A_227] : memref<1000000x64xf32, #tpu.memory_space<hbm>> -> memref<1000000x64xf32, #tpu.memory_space<hbm>>
    tpu.wait_indirect_dma semaphore(%arg16 : memref<!tpu.dma_semaphore, #tpu.memory_space<semaphore_mem>>) src(%dma_wait3A_228 : memref<1000000x64xf32, #tpu.memory_space<hbm>>) dst(%dma_wait3A_222 : memref<128x64xf32, #tpu.memory_space<vmem>>)
    %dma_wait3A_229 = arith.constant 3 : i32
    %dma_wait3A_230 = arith.constant 384 : i32
    %dma_wait3A_231 = arith.constant 0 : i32
    %dma_wait3A_232 = tpu.memref_slice %arg15[%dma_wait3A_230, %dma_wait3A_231] : memref<512x64xf32, #tpu.memory_space<vmem>> -> memref<128x64xf32, #tpu.memory_space<vmem>>
    %dma_wait3A_233 = arith.constant 0 : i32
    %dma_wait3A_234 = tpu.memref_slice %arg12[%dma_wait3A_229, %dma_wait3A_233] : memref<4x128xi32, #tpu.memory_space<vmem>> -> memref<1x128xi32, #tpu.memory_space<vmem>>
    %dma_wait3A_235 = tpu.memref_squeeze %dma_wait3A_234 : memref<1x128xi32, #tpu.memory_space<vmem>> -> memref<128xi32, #tpu.memory_space<vmem>>
    %dma_wait3A_236 = arith.constant 0 : i32
    %dma_wait3A_237 = arith.constant 0 : i32
    %dma_wait3A_238 = tpu.memref_slice %arg6[%dma_wait3A_236, %dma_wait3A_237] : memref<1000000x64xf32, #tpu.memory_space<hbm>> -> memref<1000000x64xf32, #tpu.memory_space<hbm>>
    tpu.wait_indirect_dma semaphore(%arg16 : memref<!tpu.dma_semaphore, #tpu.memory_space<semaphore_mem>>) src(%dma_wait3A_238 : memref<1000000x64xf32, #tpu.memory_space<hbm>>) dst(%dma_wait3A_232 : memref<128x64xf32, #tpu.memory_space<vmem>>)
    "tpu.region"() ({
      %run_scoped3A = tpu.sem_alloc : memref<!tpu.dma_semaphore, #tpu.memory_space<semaphore_mem>>
      %dma_start3A_239 = arith.constant 0 : i32
      %dma_start3A_240 = arith.constant 0 : i32
      %dma_start3A_241 = tpu.memref_slice %arg7[%add3A, %dma_start3A_239, %dma_start3A_240] : memref<32x512x64xf32, #tpu.memory_space<hbm>> -> memref<1x512x64xf32, #tpu.memory_space<hbm>>
      %dma_start3A_242 = tpu.memref_squeeze %dma_start3A_241 : memref<1x512x64xf32, #tpu.memory_space<hbm>> -> memref<512x64xf32, #tpu.memory_space<hbm>>
      %dma_start3A_243 = arith.constant 0 : i32
      %dma_start3A_244 = arith.constant 0 : i32
      %dma_start3A_245 = tpu.memref_slice %arg7[%add3A, %dma_start3A_243, %dma_start3A_244] : memref<32x512x64xf32, #tpu.memory_space<hbm>> -> memref<1x512x64xf32, #tpu.memory_space<hbm>>
      %dma_start3A_246 = tpu.memref_squeeze %dma_start3A_245 : memref<1x512x64xf32, #tpu.memory_space<hbm>> -> memref<512x64xf32, #tpu.memory_space<hbm>>
      tpu.enqueue_dma source(%arg13 : memref<512x64xf32, #tpu.memory_space<vmem>>) target(%dma_start3A_246 : memref<512x64xf32, #tpu.memory_space<hbm>>) target_semaphore(%run_scoped3A : memref<!tpu.dma_semaphore, #tpu.memory_space<semaphore_mem>>)
      %dma_wait3A_247 = arith.constant 0 : i32
      %dma_wait3A_248 = arith.constant 0 : i32
      %dma_wait3A_249 = tpu.memref_slice %arg7[%add3A, %dma_wait3A_247, %dma_wait3A_248] : memref<32x512x64xf32, #tpu.memory_space<hbm>> -> memref<1x512x64xf32, #tpu.memory_space<hbm>>
      %dma_wait3A_250 = tpu.memref_squeeze %dma_wait3A_249 : memref<1x512x64xf32, #tpu.memory_space<hbm>> -> memref<512x64xf32, #tpu.memory_space<hbm>>
      %dma_wait3A_251 = arith.constant 0 : i32
      %dma_wait3A_252 = arith.constant 0 : i32
      %dma_wait3A_253 = tpu.memref_slice %arg7[%add3A, %dma_wait3A_251, %dma_wait3A_252] : memref<32x512x64xf32, #tpu.memory_space<hbm>> -> memref<1x512x64xf32, #tpu.memory_space<hbm>>
      %dma_wait3A_254 = tpu.memref_squeeze %dma_wait3A_253 : memref<1x512x64xf32, #tpu.memory_space<hbm>> -> memref<512x64xf32, #tpu.memory_space<hbm>>
      tpu.wait_dma2 semaphore(%run_scoped3A : memref<!tpu.dma_semaphore, #tpu.memory_space<semaphore_mem>>) src(%arg13 : memref<512x64xf32, #tpu.memory_space<vmem>>) dst(%dma_wait3A_254 : memref<512x64xf32, #tpu.memory_space<hbm>>)
      tpu.yield
    }) : () -> ()
    "tpu.region"() ({
      %run_scoped3A = tpu.sem_alloc : memref<!tpu.dma_semaphore, #tpu.memory_space<semaphore_mem>>
      %dma_start3A_239 = arith.constant 0 : i32
      %dma_start3A_240 = arith.constant 0 : i32
      %dma_start3A_241 = tpu.memref_slice %arg8[%add3A, %dma_start3A_239, %dma_start3A_240] : memref<32x512x64xf32, #tpu.memory_space<hbm>> -> memref<1x512x64xf32, #tpu.memory_space<hbm>>
      %dma_start3A_242 = tpu.memref_squeeze %dma_start3A_241 : memref<1x512x64xf32, #tpu.memory_space<hbm>> -> memref<512x64xf32, #tpu.memory_space<hbm>>
      %dma_start3A_243 = arith.constant 0 : i32
      %dma_start3A_244 = arith.constant 0 : i32
      %dma_start3A_245 = tpu.memref_slice %arg8[%add3A, %dma_start3A_243, %dma_start3A_244] : memref<32x512x64xf32, #tpu.memory_space<hbm>> -> memref<1x512x64xf32, #tpu.memory_space<hbm>>
      %dma_start3A_246 = tpu.memref_squeeze %dma_start3A_245 : memref<1x512x64xf32, #tpu.memory_space<hbm>> -> memref<512x64xf32, #tpu.memory_space<hbm>>
      tpu.enqueue_dma source(%arg14 : memref<512x64xf32, #tpu.memory_space<vmem>>) target(%dma_start3A_246 : memref<512x64xf32, #tpu.memory_space<hbm>>) target_semaphore(%run_scoped3A : memref<!tpu.dma_semaphore, #tpu.memory_space<semaphore_mem>>)
      %dma_wait3A_247 = arith.constant 0 : i32
      %dma_wait3A_248 = arith.constant 0 : i32
      %dma_wait3A_249 = tpu.memref_slice %arg8[%add3A, %dma_wait3A_247, %dma_wait3A_248] : memref<32x512x64xf32, #tpu.memory_space<hbm>> -> memref<1x512x64xf32, #tpu.memory_space<hbm>>
      %dma_wait3A_250 = tpu.memref_squeeze %dma_wait3A_249 : memref<1x512x64xf32, #tpu.memory_space<hbm>> -> memref<512x64xf32, #tpu.memory_space<hbm>>
      %dma_wait3A_251 = arith.constant 0 : i32
      %dma_wait3A_252 = arith.constant 0 : i32
      %dma_wait3A_253 = tpu.memref_slice %arg8[%add3A, %dma_wait3A_251, %dma_wait3A_252] : memref<32x512x64xf32, #tpu.memory_space<hbm>> -> memref<1x512x64xf32, #tpu.memory_space<hbm>>
      %dma_wait3A_254 = tpu.memref_squeeze %dma_wait3A_253 : memref<1x512x64xf32, #tpu.memory_space<hbm>> -> memref<512x64xf32, #tpu.memory_space<hbm>>
      tpu.wait_dma2 semaphore(%run_scoped3A : memref<!tpu.dma_semaphore, #tpu.memory_space<semaphore_mem>>) src(%arg14 : memref<512x64xf32, #tpu.memory_space<vmem>>) dst(%dma_wait3A_254 : memref<512x64xf32, #tpu.memory_space<hbm>>)
      tpu.yield
    }) : () -> ()
    "tpu.region"() ({
      %run_scoped3A = tpu.sem_alloc : memref<!tpu.dma_semaphore, #tpu.memory_space<semaphore_mem>>
      %dma_start3A_239 = arith.constant 0 : i32
      %dma_start3A_240 = arith.constant 0 : i32
      %dma_start3A_241 = tpu.memref_slice %arg9[%add3A, %dma_start3A_239, %dma_start3A_240] : memref<32x512x64xf32, #tpu.memory_space<hbm>> -> memref<1x512x64xf32, #tpu.memory_space<hbm>>
      %dma_start3A_242 = tpu.memref_squeeze %dma_start3A_241 : memref<1x512x64xf32, #tpu.memory_space<hbm>> -> memref<512x64xf32, #tpu.memory_space<hbm>>
      %dma_start3A_243 = arith.constant 0 : i32
      %dma_start3A_244 = arith.constant 0 : i32
      %dma_start3A_245 = tpu.memref_slice %arg9[%add3A, %dma_start3A_243, %dma_start3A_244] : memref<32x512x64xf32, #tpu.memory_space<hbm>> -> memref<1x512x64xf32, #tpu.memory_space<hbm>>
      %dma_start3A_246 = tpu.memref_squeeze %dma_start3A_245 : memref<1x512x64xf32, #tpu.memory_space<hbm>> -> memref<512x64xf32, #tpu.memory_space<hbm>>
      tpu.enqueue_dma source(%arg15 : memref<512x64xf32, #tpu.memory_space<vmem>>) target(%dma_start3A_246 : memref<512x64xf32, #tpu.memory_space<hbm>>) target_semaphore(%run_scoped3A : memref<!tpu.dma_semaphore, #tpu.memory_space<semaphore_mem>>)
      %dma_wait3A_247 = arith.constant 0 : i32
      %dma_wait3A_248 = arith.constant 0 : i32
      %dma_wait3A_249 = tpu.memref_slice %arg9[%add3A, %dma_wait3A_247, %dma_wait3A_248] : memref<32x512x64xf32, #tpu.memory_space<hbm>> -> memref<1x512x64xf32, #tpu.memory_space<hbm>>
      %dma_wait3A_250 = tpu.memref_squeeze %dma_wait3A_249 : memref<1x512x64xf32, #tpu.memory_space<hbm>> -> memref<512x64xf32, #tpu.memory_space<hbm>>
      %dma_wait3A_251 = arith.constant 0 : i32
      %dma_wait3A_252 = arith.constant 0 : i32
      %dma_wait3A_253 = tpu.memref_slice %arg9[%add3A, %dma_wait3A_251, %dma_wait3A_252] : memref<32x512x64xf32, #tpu.memory_space<hbm>> -> memref<1x512x64xf32, #tpu.memory_space<hbm>>
      %dma_wait3A_254 = tpu.memref_squeeze %dma_wait3A_253 : memref<1x512x64xf32, #tpu.memory_space<hbm>> -> memref<512x64xf32, #tpu.memory_space<hbm>>
      tpu.wait_dma2 semaphore(%run_scoped3A : memref<!tpu.dma_semaphore, #tpu.memory_space<semaphore_mem>>) src(%arg15 : memref<512x64xf32, #tpu.memory_space<vmem>>) dst(%dma_wait3A_254 : memref<512x64xf32, #tpu.memory_space<hbm>>)
      tpu.yield
    }) : () -> ()
    return
  }
}

</mosaic_0001>

<sc_bundles>
// kernel: kernel.3.cloned.1.call-start
scs
__scs_entry_jumppad:
0x0: {  	(pc) =	sbr.rel $0x88, $3  }
0x1: {  	(tag) =	ssettag $0x0;
	lr =	simm.s32 $0x1  }
0x2: {  	[smem:$0x3F9C] =	sst lr;
	_ =	strace $0xD0000000  }
0x3: {  	_ = 	snop  }
0x4: {  	_ = 	snop  }
0x5: {  	_ = 	snop  }
0x6: {  	_ = 	snop  }
0x7: {  	_ = 	snop  }
__scs_overlays_trampoline_lowered:
0x8: {  	[smem:$0x3FAB] =	sst s0  }
0x9: {  	[smem:$0x3FAC] =	sst s1  }
0xa: {  	[smem:$0x3FAD] =	sst s2  }
0xb: {  	[smem:$0x3FAE] =	sst s3  }
0xc: {  	[smem:$0x3FAF] =	sst s4  }
0xd: {  	[smem:$0x3FB0] =	sst s5  }
0xe: {  	[smem:$0x3FB1] =	sst s6  }
0xf: {  	[smem:$0x3FB2] =	sst s7  }
0x10: {  	[smem:$0x3FB3] =	sst s8  }
0x11: {  	[smem:$0x3FB4] =	sst s9;
	s0 =	simm.s32 @!p0 $0x0  }
0x12: {  	s1 =	sld [smem:$0x3F9A];
	s0 =	simm.s32 @p0 $0x1  }
0x13: {  	[smem:$0x3FB5] =	sst s0;
	s0 =	simm.s32 @!p1 $0x0  }
0x14: {  	s2 =	sld [smem:$0x3F99];
	s0 =	simm.s32 @p1 $0x1  }
0x15: {  	[smem:$0x3FB6] =	sst s0;
	s0 =	simm.s32 @!p2 $0x0  }
0x16: {  	s3 =	sld [smem:$0x3FDB];
	s0 =	simm.s32 @p2 $0x1  }
0x17: {  	s4 =	simm.s32 $0x1BF5;
	[smem:$0x3FB8] =	sst s0  }
0x18: {  	s0 =	sld [smem:$0x3F9B];
	_ =	swait.ge [sflag:s4], $0x0  }
0x19: {  	s7 =	sld [smem:$0x3F9C]  }
0x1a: {  	s8 =	sadd.s32 $0xFFFFE003, lr  }
0x1b: {  	s9 =	sadd.s32 $0xFFFFFEF7, lr;
	s5 =	simm.s32 $0xFFFFFFFF;
	p2 =	slt.u32 s8, $0xFFFFF086  }
0x1c: {  	p1 =	slt.u32 s9, $0xF7A;
	s5 =	simm.s32 @!p2 $0x0  }
0x1d: {  	s5 =	simm.s32 @p1 $0x1;
	p0 =	seq.s32 s7, s2  }
0x1e: {  	s7 =	smul.u32 @!p0 $0xF7A, s2;
	p2 =	seq.s32 @!p0 s5, $0x0  }
0x1f: {  	s9 =	smul.u32 $0xF7A, s1;
	s8 =	simm.s32 @!p0 $0x1BF5;
	p2 =	por !p2, p0  }
0x20: {  	[sflag:s8] =	ssyncset.s32 @!p0 $0xFFFFF086;
	s6 =	sadd.s32 @!p0 s3, s7;
	s7 =	simm.s32 @!p0 $0x108  }
0x21: {  	s3 =	sadd.s32 s3, s9;
	s6 =	sadd.s32 @!p0 $0x88, s6;
	s7 =	simm.s32 @p2 $0x1082  }
0x22: {  	[simem:s7], [sflag:s8] =	dma.local @!p0 [hbm:s6], $0xF7A  }
0x23: {  	s9 =	sor.u32 $0xD0000000, s2;
	s6 =	simm.s32 $0x108;
	_ =	swait.ge @!p0 [sflag:s8], $0x0  }
0x24: {  	s3 =	sadd.s32 $0x88, s3;
	s6 =	simm.s32 @!p1 $0x1082;
	[sflag:s4] =	ssyncset.s32 $0xFFFFF086  }
0x25: {  	[simem:s6], [sflag:s4] =	dma.local [hbm:s3], $0xF7A  }
0x26: {  	[smem:$0x3F9C] =	sst s1;
	(tag) =	ssettag s2;
	_ =	strace s9  }
0x27: {  	s1 =	sld [smem:$0x3FAC]  }
0x28: {  	s2 =	sld [smem:$0x3FAD]  }
0x29: {  	s4 =	sld [smem:$0x3FAF]  }
0x2a: {  	p0 =	seq.s32 s5, $0x0;
	s5 =	sld [smem:$0x3FB0]  }
0x2b: {  	s6 =	sld [smem:$0x3FB1]  }
0x2c: {  	s7 =	sld [smem:$0x3FB2]  }
0x2d: {  	s3 =	simm.s32 $0x108;
	s8 =	sld [smem:$0x3FB3]  }
0x2e: {  	s3 =	simm.s32 @!p0 $0x1082;
	s9 =	sld [smem:$0x3FB4]  }
0x2f: {  	lr =	sadd.s32 s0, s3;
	s0 =	sld [smem:$0x3FAB]  }
0x30: {  	s3 =	sld [smem:$0x3FAE]  }
0x31: {  	[smem:$0x3FB7] =	sst s10  }
0x32: {  	s10 =	sld [smem:$0x3FB5];
	_ =	sdelay $0x3  }
0x33: {  	p0 =	seq.s32 s10, $0x1;
	s10 =	sld [smem:$0x3FB7];
	_ =	sdelay $0x3  }
0x34: {  	[smem:$0x3FB7] =	sst s10  }
0x35: {  	s10 =	sld [smem:$0x3FB6];
	_ =	sdelay $0x3  }
0x36: {  	p1 =	seq.s32 s10, $0x1;
	s10 =	sld [smem:$0x3FB7];
	_ =	sdelay $0x3  }
0x37: {  	[smem:$0x3FB7] =	sst s10  }
0x38: {  	s10 =	sld [smem:$0x3FB8]  }
0x39: {  	_ = 	snop;
	(pc) =	sbr.ind lr, $3  }
0x3a: {  	_ = 	snop  }
0x3b: {  	_ = 	snop  }
0x3c: {  	p2 =	seq.s32 s10, $0x1;
	s10 =	sld [smem:$0x3FB7]  }
0x3d: {  	_ =	shalt  }
0x3e: {  	_ =	shalt  }
0x3f: {  	_ =	shalt  }
0x40: {  	_ =	shalt  }
0x41: {  	_ =	shalt  }
0x42: {  	_ =	shalt  }
0x43: {  	_ =	shalt  }
0x44: {  	_ =	shalt  }
0x45: {  	_ =	shalt  }
0x46: {  	_ =	shalt  }
0x47: {  	_ =	shalt  }
0x48: {  	_ =	shalt  }
0x49: {  	_ =	shalt  }
0x4a: {  	_ =	shalt  }
0x4b: {  	_ =	shalt  }
0x4c: {  	_ =	shalt  }
0x4d: {  	_ =	shalt  }
0x4e: {  	_ =	shalt  }
0x4f: {  	_ =	shalt  }
0x50: {  	_ =	shalt  }
0x51: {  	_ =	shalt  }
0x52: {  	_ =	shalt  }
0x53: {  	_ =	shalt  }
0x54: {  	_ =	shalt  }
0x55: {  	_ =	shalt  }
0x56: {  	_ =	shalt  }
0x57: {  	_ =	shalt  }
0x58: {  	_ =	shalt  }
0x59: {  	_ =	shalt  }
0x5a: {  	_ =	shalt  }
0x5b: {  	_ =	shalt  }
0x5c: {  	_ =	shalt  }
0x5d: {  	_ =	shalt  }
0x5e: {  	_ =	shalt  }
0x5f: {  	_ =	shalt  }
0x60: {  	_ =	shalt  }
0x61: {  	_ =	shalt  }
0x62: {  	_ =	shalt  }
0x63: {  	_ =	shalt  }
0x64: {  	_ =	shalt  }
0x65: {  	_ =	shalt  }
0x66: {  	_ =	shalt  }
0x67: {  	_ =	shalt  }
0x68: {  	_ =	shalt  }
0x69: {  	_ =	shalt  }
0x6a: {  	_ =	shalt  }
0x6b: {  	_ =	shalt  }
0x6c: {  	_ =	shalt  }
0x6d: {  	_ =	shalt  }
0x6e: {  	_ =	shalt  }
0x6f: {  	_ =	shalt  }
0x70: {  	_ =	shalt  }
0x71: {  	_ =	shalt  }
0x72: {  	_ =	shalt  }
0x73: {  	_ =	shalt  }
0x74: {  	_ =	shalt  }
0x75: {  	_ =	shalt  }
0x76: {  	_ =	shalt  }
0x77: {  	_ =	shalt  }
0x78: {  	_ =	shalt  }
0x79: {  	_ =	shalt  }
0x7a: {  	_ =	shalt  }
0x7b: {  	_ =	shalt  }
0x7c: {  	_ =	shalt  }
0x7d: {  	_ =	shalt  }
0x7e: {  	_ =	shalt  }
0x7f: {  	_ =	shalt  }
0x80: {  	_ =	shalt  }
0x81: {  	_ =	shalt  }
0x82: {  	_ =	shalt  }
0x83: {  	_ =	shalt  }
0x84: {  	_ =	shalt  }
0x85: {  	_ =	shalt  }
0x86: {  	_ =	shalt  }
0x87: {  	_ =	shalt  }
.Lfunc_end0:
.L_simem_size_0:
called_computation_lowered:
.L_overlay_start_0:
0x88: {  	s2 =	sld [smem:$0x3FD9]  }
0x89: {  	s3 =	sld [smem:$0x3FFE];
	_ =	sdelay $0x1  }
0x8a: {  	s1 =	srdreg.scid  }
0x8b: {  	s0 =	sand.u32 $0x1, s1  }
0x8c: {  	s14 =	sshll.u32 s0, $0xA;
	s2 =	sadd.s32 s3, s2  }
0x8d: {  	s2 =	sadd.s32 s2, s14  }
0x8e: {  	[smem:$0x3FC3] =	sst s2  }
0x8f: {  	_ = 	snop  }
0x90: {  	s2 =	sld [smem:$0x3FD0]  }
0x91: {  	s15 =	sld [smem:$0x3FC9]  }
0x92: {  	s4 =	sld [smem:$0x3FC8]  }
0x93: {  	s6 =	simm.s32 $0xA;
	s7 =	simm.s32 $0x10;
	s5 =	sld [smem:$0x3FC7]  }
0x94: {  	[smem:s7], [sflag:s6] =	dma.local [hbm:s2], $0x1  }
0x95: {  	_ =	swait.eq [sflag:s6], $0x1  }
0x96: {  	[sflag:s6] =	ssyncset.done $0x0  }
0x97: {  	s16 =	sld [smem:$0x11];
	[sflag:s6] =	ssyncadd.s32 $0xFFFFFFFF  }
0x98: {  	s17 =	sld [smem:$0x12];
	(tm) =	ssettm $0x1  }
0x99: {  	s18 =	sld [smem:$0x3FFB];
	_ =	sdelay $0x3  }
0x9a: {  	_ =	strace s18  }
0x9b: {  	s7 =	sld [smem:$0x3FFC];
	_ =	sdelay $0x3  }
0x9c: {  	_ =	strace s7  }
0x9d: {  	s7 =	sld [smem:$0x3FFD];
	_ =	sdelay $0x3  }
0x9e: {  	_ =	strace s7  }
0x9f: {  	_ =	strace $0x8FFFFFFF  }
0xa0: {  	s19 =	sld [smem:$0x3FDB];
	_ =	sdelay $0x1  }
0xa1: {  	s8 =	simm.s32 $_scs_section_size  }
0xa2: {  	s9 =	simm.s32 $_size__tile_overlayer_lowered;
	s10 =	simm.s32 $_tile_overlayer_lowered  }
0xa3: {  	s22 =	simm.s32 $0x1BFF;
	s21 =	sshll.u32 s10, $0x1;
	s7 =	sadd.s32 s8, s19  }
0xa4: {  	s11 =	simm.s32 $0x0;
	s20 =	sshll.u32 s9, $0x1;
	s9 =	sadd.s32 s21, s7  }
0xa5: {  	[timem:s11], [sflag:s22] =	dma.local [hbm:s9], s20  }
0xa6: {  	_ =	swait.ge [sflag:s22], s20  }
0xa7: {  	s8 =	ssub.s32 $0x0, s20;
	[sflag:s22] =	ssyncset.done $0x0  }
0xa8: {  	[sflag:s22] =	ssyncadd.s32 s8;
	_ =	sdelay $0x1  }
0xa9: {  	s23 =	simm.s32 $0x1B8B  }
0xaa: {  	_ =	swait.ge [sflag:s23], $0x1  }
0xab: {  	[sflag:s23] =	ssyncset.done $0x0  }
0xac: {  	s25 =	simm.s32 $0x1B8E;
	s24 =	sld [smem:$0x3FFE];
	[sflag:s23] =	ssyncadd.s32 $0xFFFFFFFF  }
0xad: {  	s26 =	simm.s32 $execute0_lowered;
	[smem:$0x3FD2] =	sst s25  }
0xae: {  	s9 =	sshll.u32 s26, $0x1;
	_ =	strace $0x80000046;
	[dreg:$0x1] =	wrdreg $0xFFFFFFFF  }
0xaf: {  	s28 =	simm.s32 $_size_execute0_lowered;
	s7 =	sadd.s32 s7, s9;
	[dreg:$0x0] =	wrdreg $0x0  }
0xb0: {  	s9 =	sshll.u32 s28, $0x1;
	[dreg:$0x2] =	wrdreg s7  }
0xb1: {  	[dreg:$0x3] =	wrdreg s9  }
0xb2: {  	[dreg:$0x4] =	wrdreg $0xC0  }
0xb3: {  	_ =	task [dreg:s11], $0x5FFFF  }
0xb4: {  	[dreg:$0x1] =	wrdreg $0xFFFFFFFF  }
0xb5: {  	[dreg:$0x0] =	wrdreg $0x60  }
0xb6: {  	[dreg:$0x2] =	wrdreg s15  }
0xb7: {  	[dreg:$0x3] =	wrdreg s4  }
0xb8: {  	[dreg:$0x4] =	wrdreg s5  }
0xb9: {  	[dreg:$0x5] =	wrdreg s24  }
0xba: {  	[dreg:$0x6] =	wrdreg s17  }
0xbb: {  	[dreg:$0x7] =	wrdreg s16  }
0xbc: {  	[dreg:$0x8] =	wrdreg $0x9  }
0xbd: {  	_ =	task.clear_ibuf [dreg:s11], $0x9FFFF;
	_ =	strace $0x90000046  }
0xbe: {  	s29 =	simm.s32 $0x9;
	_ =	strace $0x80000048  }
0xbf: {  	_ =	swait.ge [sflag:s29], $0x1  }
0xc0: {  	[sflag:s29] =	ssyncadd.s32 $0xFFFFFFFF  }
0xc1: {  	_ =	strace $0x90000048  }
0xc2: {  	_ =	sfence  }
0xc3: {  	s30 =	sld [smem:$0x0];
	_ =	sdelay $0x2  }
0xc4: {  	s31 =	sshll.u32 s1, $0xD;
	s1 =	sshrl.u32 s1, $0x2  }
0xc5: {  	s3 =	sand.u32 $0x4000, s31;
	s1 =	sadd.s32 s1, s30  }
0xc6: {  	s0 =	sor.u32 s3, s0;
	s1 =	sshll.u32 s1, $0x11  }
0xc7: {  	s0 =	sor.u32 s1, s0  }
0xc8: {  	s0 =	sadd.s32 $0x8F2B, s0  }
0xc9: {  	[sflag:s0] =	ssyncadd.remote.s32 $0x1  }
0xca: {  	_ =	sfence.sel $0xFFFF  }
0xcb: {  	[dreg:$0x0] =	wrdreg $0xFFFFFFFF;
	(pc) =	sbr.abs _section_cstart, $3  }
0xcc: {  	[dreg:$0x1] =	wrdreg $0xFFFFFFFF  }
0xcd: {  	_ =	task.clear_ibuf [dreg:s11], $0x2FFFF;
	_ =	strace $0x9FFFFFFF  }
0xce: {  	(tm) =	ssettm $0x7FFFFFFF  }
0xcf: {  	_ =	shalt  }
tec
execute0_lowered:
.L_overlay_start_1:
0x0: {  	(tag) =	ssettag $0x1  }
0x1: {  	s0 =	rddreg [dreg:$0x0]  }
0x2: {  	s1 =	rddreg [dreg:$0x1]  }
0x3: {  	s3 =	rddreg [dreg:$0x2]  }
0x4: {  	s4 =	rddreg [dreg:$0x3]  }
0x5: {  	s5 =	rddreg [dreg:$0x4]  }
0x6: {  	s6 =	rddreg [dreg:$0x5];
	s7 =	srdreg.scid  }
0x7: {  	s8 =	stileid.u32;
	s2 =	simm.s32 $0x0;
	s13 =	simm.s32 $0x200  }
0x8: {  	s12 =	simm.s32 $0x400;
	s14 =	simm.s32 $0x2600;
	s15 =	simm.s32 $0x100  }
0x9: {  	s16 =	simm.s32 $0x4600;
	s17 =	simm.s32 $0x180;
	s18 =	simm.s32 $0x6600  }
0xa: {  	p0 =	por $0x0, $0x0;
	s28 =	simm.s32 $0x500;
	s29 =	simm.s32 $0x14600  }
0xb: {  	s30 =	simm.s32 $0x580;
	s31 =	simm.s32 $0x16600;
	s7 =	sand.u32 $0x1, s7  }
0xc: {  	s8 =	sshll.u32 s8, $0x1;
	[smem:$0x7FF] =	sst s2;
	s9 =	sadd.s32 $0xF43000, s4  }
0xd: {  	s10 =	sor.u32 s7, s8;
	_ =	strace $0x80000047;
	s8 =	sadd.s32 $0x16E4200, s4  }
0xe: {  	s22 =	ssub.s32 $0x2, s7;
	s7 =	simm.s32 $0x10600;
	s11 =	sshll.u32 s10, $0x6  }
0xf: {  	s10 =	sshll.u32 s10, $0xC;
	s24 =	sshrl.u32 s22, $0x1;
	s0 =	sadd.s32 s0, s11  }
0x10: {  	s19 =	sadd.s32 s1, s11;
	s20 =	sadd.s32 s10, s4;
	s21 =	sadd.s32 s3, s11  }
0x11: {  	s23 =	sadd.s32 s5, s10;
	s25 =	sadd.s32 s6, s10;
	s3 =	ssub.s32 s22, s24  }
0x12: {  	s11 =	simm.s32 $0x80;
	s5 =	simm.s32 $0x600;
	[dreg:$0x7] =	wrdreg s0  }
0x13: {  	s6 =	simm.s32 $0x8600;
	[dreg:$0x8] =	wrdreg s19;
	s26 =	smax.u32 s3, $0x1  }
0x14: {  	s22 =	simm.s32 $0xC600;
	[dreg:$0x9] =	wrdreg s21;
	p1 =	sne.s32 s26, $0x1  }
.Ltmp0:
0x15: {  	s24 =	simm.s32 $0xE600;
	[dreg:$0xa] =	wrdreg s23;
	(pc) =	sbr.rel @!p1 .LBB2_3-.Ltmp0, $4  }
0x16: {  	s10 =	simm.s32 $0x1;
	[dreg:$0xb] =	wrdreg s25;
	s4 =	sadd.s32 $0xC00, s20  }
0x17: {  	s3 =	simm.s32 $0x2;
	s19 =	simm.s32 $0x280;
	s20 =	simm.s32 $0xA600  }
0x18: {  	s21 =	simm.s32 $0x300;
	s23 =	simm.s32 $0x380;
	s25 =	simm.s32 $0x480  }
0x19: {  	s0 =	sadd.s32 $0xFFFFFFFF, s26;
	s26 =	simm.s32 $0x12600;
	s1 =	rddreg [dreg:$0x7]  }
0x1a: {  	[tilespmem:s2], [sflag:$0x2] =	stream.linear.gather [hbm4b:s1+s2], $0x200, $0x38;
	[tilespmem:$0x18600] =	vst v63  }
0x1b: {  	_ =	swait.ge [sflag:s3], $0x200  }
0x1c: {  	[sflag:s3] =	ssyncset.done $0x0  }
0x1d: {  	s1 =	rddreg [dreg:$0x8];
	[sflag:s3] =	ssyncadd.s32 $0xFFFFFE00  }
0x1e: {  	[tilespmem:s13], [sflag:$0x2] =	stream.linear.gather [hbm4b:s1+s2], $0x200, $0x38;
	[tilespmem:$0x18600] =	vst v63  }
0x1f: {  	_ =	swait.ge [sflag:s3], $0x200  }
0x20: {  	[sflag:s3] =	ssyncset.done $0x0  }
0x21: {  	s1 =	rddreg [dreg:$0x9];
	[sflag:s3] =	ssyncadd.s32 $0xFFFFFE00  }
0x22: {  	[tilespmem:s12], [sflag:$0x2] =	stream.linear.gather [hbm4b:s1+s2], $0x200, $0x38;
	[tilespmem:$0x18600] =	vst v63  }
0x23: {  	_ =	swait.ge [sflag:s3], $0x200  }
0x24: {  	[sflag:s3] =	ssyncset.done $0x0  }
0x25: {  	[sflag:s3] =	ssyncadd.s32 $0xFFFFFE00  }
0x26: {  	[tilespmem:s5], [sflag:$0x1] =	stream.indirect.gather [hbm4b:s9+s11], $0x40, s2, s11, $0xb8;
	[tilespmem:$0x18600] =	vst v63  }
0x27: {  	_ = 	snop  }
0x28: {  	[tilespmem:s14], [sflag:$0x1] =	stream.indirect.gather [hbm4b:s9+s11], $0x40, s11, s11, $0xb8;
	[tilespmem:$0x18600] =	vst v63  }
0x29: {  	_ = 	snop  }
0x2a: {  	[tilespmem:s16], [sflag:$0x1] =	stream.indirect.gather [hbm4b:s9+s11], $0x40, s15, s11, $0xb8;
	[tilespmem:$0x18600] =	vst v63  }
0x2b: {  	_ = 	snop  }
0x2c: {  	[tilespmem:s18], [sflag:$0x1] =	stream.indirect.gather [hbm4b:s9+s11], $0x40, s17, s11, $0xb8;
	[tilespmem:$0x18600] =	vst v63  }
0x2d: {  	_ = 	snop  }
0x2e: {  	[tilespmem:s6], [sflag:$0x1] =	stream.indirect.gather [hbm4b:s8+s11], $0x40, s13, s11, $0xb8;
	[tilespmem:$0x18600] =	vst v63  }
0x2f: {  	_ = 	snop  }
0x30: {  	[tilespmem:s20], [sflag:$0x1] =	stream.indirect.gather [hbm4b:s8+s11], $0x40, s19, s11, $0xb8;
	[tilespmem:$0x18600] =	vst v63  }
0x31: {  	_ = 	snop  }
0x32: {  	[tilespmem:s22], [sflag:$0x1] =	stream.indirect.gather [hbm4b:s8+s11], $0x40, s21, s11, $0xb8;
	[tilespmem:$0x18600] =	vst v63  }
0x33: {  	_ = 	snop  }
0x34: {  	[tilespmem:s24], [sflag:$0x1] =	stream.indirect.gather [hbm4b:s8+s11], $0x40, s23, s11, $0xb8;
	[tilespmem:$0x18600] =	vst v63  }
0x35: {  	_ = 	snop  }
0x36: {  	[tilespmem:s7], [sflag:$0x1] =	stream.indirect.gather [hbm4b:s8+s11], $0x40, s12, s11, $0xb8;
	[tilespmem:$0x18600] =	vst v63  }
0x37: {  	_ = 	snop  }
0x38: {  	[tilespmem:s26], [sflag:$0x1] =	stream.indirect.gather [hbm4b:s8+s11], $0x40, s25, s11, $0xb8;
	[tilespmem:$0x18600] =	vst v63  }
0x39: {  	_ = 	snop  }
0x3a: {  	[tilespmem:s29], [sflag:$0x1] =	stream.indirect.gather [hbm4b:s8+s11], $0x40, s28, s11, $0xb8;
	[tilespmem:$0x18600] =	vst v63  }
0x3b: {  	_ = 	snop  }
0x3c: {  	[tilespmem:s31], [sflag:$0x1] =	stream.indirect.gather [hbm4b:s8+s11], $0x40, s30, s11, $0xb8;
	[tilespmem:$0x18600] =	vst v63  }
0x3d: {  	_ =	swait.ge [sflag:s10], $0x2000  }
0x3e: {  	[sflag:s10] =	ssyncset.done $0x0  }
0x3f: {  	[sflag:s10] =	ssyncadd.s32 $0xFFFFE000  }
0x40: {  	_ =	swait.ge [sflag:s10], $0x2000  }
0x41: {  	[sflag:s10] =	ssyncset.done $0x0  }
0x42: {  	[sflag:s10] =	ssyncadd.s32 $0xFFFFE000  }
0x43: {  	_ =	swait.ge [sflag:s10], $0x2000  }
0x44: {  	[sflag:s10] =	ssyncset.done $0x0  }
0x45: {  	[sflag:s10] =	ssyncadd.s32 $0xFFFFE000  }
0x46: {  	_ =	swait.ge [sflag:s10], $0x2000  }
0x47: {  	[sflag:s10] =	ssyncset.done $0x0  }
0x48: {  	[sflag:s10] =	ssyncadd.s32 $0xFFFFE000  }
0x49: {  	_ =	swait.ge [sflag:s10], $0x2000  }
0x4a: {  	[sflag:s10] =	ssyncset.done $0x0  }
0x4b: {  	[sflag:s10] =	ssyncadd.s32 $0xFFFFE000  }
0x4c: {  	_ =	swait.ge [sflag:s10], $0x2000  }
0x4d: {  	[sflag:s10] =	ssyncset.done $0x0  }
0x4e: {  	[sflag:s10] =	ssyncadd.s32 $0xFFFFE000  }
0x4f: {  	_ =	swait.ge [sflag:s10], $0x2000  }
0x50: {  	[sflag:s10] =	ssyncset.done $0x0  }
0x51: {  	[sflag:s10] =	ssyncadd.s32 $0xFFFFE000  }
0x52: {  	_ =	swait.ge [sflag:s10], $0x2000  }
0x53: {  	[sflag:s10] =	ssyncset.done $0x0  }
0x54: {  	[sflag:s10] =	ssyncadd.s32 $0xFFFFE000  }
0x55: {  	_ =	swait.ge [sflag:s10], $0x2000  }
0x56: {  	[sflag:s10] =	ssyncset.done $0x0  }
0x57: {  	[sflag:s10] =	ssyncadd.s32 $0xFFFFE000  }
0x58: {  	_ =	swait.ge [sflag:s10], $0x2000  }
0x59: {  	[sflag:s10] =	ssyncset.done $0x0  }
0x5a: {  	[sflag:s10] =	ssyncadd.s32 $0xFFFFE000  }
0x5b: {  	_ =	swait.ge [sflag:s10], $0x2000  }
0x5c: {  	[sflag:s10] =	ssyncset.done $0x0  }
0x5d: {  	[sflag:s10] =	ssyncadd.s32 $0xFFFFE000  }
0x5e: {  	_ =	swait.ge [sflag:s10], $0x2000  }
0x5f: {  	[sflag:s10] =	ssyncset.done $0x0  }
0x60: {  	s1 =	rddreg [dreg:$0xa];
	[sflag:s10] =	ssyncadd.s32 $0xFFFFE000  }
0x61: {  	[hbm4b:s1+s2] =	stream.linear.scatter [tilespmem:s5], [sflag:$0x2], $0x8000, $0x38;
	[tilespmem:$0x18600] =	vst v63  }
0x62: {  	_ =	swait.ge [sflag:s3], $0x8000  }
0x63: {  	[sflag:s3] =	ssyncset.done $0x0  }
0x64: {  	s1 =	rddreg [dreg:$0xb];
	[sflag:s3] =	ssyncadd.s32 $0xFFFF8000  }
0x65: {  	[hbm4b:s1+s2] =	stream.linear.scatter [tilespmem:s6], [sflag:$0x2], $0x8000, $0x38;
	[tilespmem:$0x18600] =	vst v63  }
0x66: {  	p1 =	sne.s32 s0, $0x1;
	_ =	swait.ge [sflag:s3], $0x8000  }
.Ltmp1:
0x67: {  	[sflag:s3] =	ssyncset.done $0x0;
	(pc) =	sbr.rel @!p1 .LBB2_3-.Ltmp1, $4  }
0x68: {  	[sflag:s3] =	ssyncadd.s32 $0xFFFF8000  }
0x69: {  	[hbm4b:s4+s2] =	stream.linear.scatter [tilespmem:s7], [sflag:$0x2], $0x8000, $0x38;
	[tilespmem:$0x18600] =	vst v63  }
0x6a: {  	s0 =	sadd.s32 $0xFFFFFFFF, s0;
	_ =	swait.ge [sflag:s3], $0x8000  }
0x6b: {  	p0 =	por $0x1, $0x1;
	s1 =	rddreg [dreg:$0x7];
	[sflag:s3] =	ssyncset.done $0x0  }
.LBB2_2:
0x6c: {  	[sflag:s3] =	ssyncadd.s32 $0xFFFF8000  }
0x6d: {  	[tilespmem:s2], [sflag:$0x2] =	stream.linear.gather [hbm4b:s1+s2], $0x200, $0x38;
	[tilespmem:$0x18600] =	vst v63  }
0x6e: {  	_ =	swait.ge [sflag:s3], $0x200  }
0x6f: {  	[sflag:s3] =	ssyncset.done $0x0  }
0x70: {  	s1 =	rddreg [dreg:$0x8];
	[sflag:s3] =	ssyncadd.s32 $0xFFFFFE00  }
0x71: {  	[tilespmem:s13], [sflag:$0x2] =	stream.linear.gather [hbm4b:s1+s2], $0x200, $0x38;
	[tilespmem:$0x18600] =	vst v63  }
0x72: {  	_ =	swait.ge [sflag:s3], $0x200  }
0x73: {  	[sflag:s3] =	ssyncset.done $0x0  }
0x74: {  	s1 =	rddreg [dreg:$0x9];
	[sflag:s3] =	ssyncadd.s32 $0xFFFFFE00  }
0x75: {  	[tilespmem:s12], [sflag:$0x2] =	stream.linear.gather [hbm4b:s1+s2], $0x200, $0x38;
	[tilespmem:$0x18600] =	vst v63  }
0x76: {  	_ =	swait.ge [sflag:s3], $0x200  }
0x77: {  	[sflag:s3] =	ssyncset.done $0x0  }
0x78: {  	[sflag:s3] =	ssyncadd.s32 $0xFFFFFE00  }
0x79: {  	[tilespmem:s5], [sflag:$0x1] =	stream.indirect.gather [hbm4b:s9+s11], $0x40, s2, s11, $0xb8;
	[tilespmem:$0x18600] =	vst v63  }
0x7a: {  	_ = 	snop  }
0x7b: {  	[tilespmem:s14], [sflag:$0x1] =	stream.indirect.gather [hbm4b:s9+s11], $0x40, s11, s11, $0xb8;
	[tilespmem:$0x18600] =	vst v63  }
0x7c: {  	_ = 	snop  }
0x7d: {  	[tilespmem:s16], [sflag:$0x1] =	stream.indirect.gather [hbm4b:s9+s11], $0x40, s15, s11, $0xb8;
	[tilespmem:$0x18600] =	vst v63  }
0x7e: {  	_ = 	snop  }
0x7f: {  	[tilespmem:s18], [sflag:$0x1] =	stream.indirect.gather [hbm4b:s9+s11], $0x40, s17, s11, $0xb8;
	[tilespmem:$0x18600] =	vst v63  }
0x80: {  	_ = 	snop  }
0x81: {  	[tilespmem:s6], [sflag:$0x1] =	stream.indirect.gather [hbm4b:s8+s11], $0x40, s13, s11, $0xb8;
	[tilespmem:$0x18600] =	vst v63  }
0x82: {  	_ = 	snop  }
0x83: {  	[tilespmem:s20], [sflag:$0x1] =	stream.indirect.gather [hbm4b:s8+s11], $0x40, s19, s11, $0xb8;
	[tilespmem:$0x18600] =	vst v63  }
0x84: {  	_ = 	snop  }
0x85: {  	[tilespmem:s22], [sflag:$0x1] =	stream.indirect.gather [hbm4b:s8+s11], $0x40, s21, s11, $0xb8;
	[tilespmem:$0x18600] =	vst v63  }
0x86: {  	_ = 	snop  }
0x87: {  	[tilespmem:s24], [sflag:$0x1] =	stream.indirect.gather [hbm4b:s8+s11], $0x40, s23, s11, $0xb8;
	[tilespmem:$0x18600] =	vst v63  }
0x88: {  	_ = 	snop  }
0x89: {  	[tilespmem:s7], [sflag:$0x1] =	stream.indirect.gather [hbm4b:s8+s11], $0x40, s12, s11, $0xb8;
	[tilespmem:$0x18600] =	vst v63  }
0x8a: {  	_ = 	snop  }
0x8b: {  	[tilespmem:s26], [sflag:$0x1] =	stream.indirect.gather [hbm4b:s8+s11], $0x40, s25, s11, $0xb8;
	[tilespmem:$0x18600] =	vst v63  }
0x8c: {  	_ = 	snop  }
0x8d: {  	[tilespmem:s29], [sflag:$0x1] =	stream.indirect.gather [hbm4b:s8+s11], $0x40, s28, s11, $0xb8;
	[tilespmem:$0x18600] =	vst v63  }
0x8e: {  	_ = 	snop  }
0x8f: {  	[tilespmem:s31], [sflag:$0x1] =	stream.indirect.gather [hbm4b:s8+s11], $0x40, s30, s11, $0xb8;
	[tilespmem:$0x18600] =	vst v63  }
0x90: {  	_ =	swait.ge [sflag:s10], $0x2000  }
0x91: {  	[sflag:s10] =	ssyncset.done $0x0  }
0x92: {  	[sflag:s10] =	ssyncadd.s32 $0xFFFFE000  }
0x93: {  	_ =	swait.ge [sflag:s10], $0x2000  }
0x94: {  	[sflag:s10] =	ssyncset.done $0x0  }
0x95: {  	[sflag:s10] =	ssyncadd.s32 $0xFFFFE000  }
0x96: {  	_ =	swait.ge [sflag:s10], $0x2000  }
0x97: {  	[sflag:s10] =	ssyncset.done $0x0  }
0x98: {  	[sflag:s10] =	ssyncadd.s32 $0xFFFFE000  }
0x99: {  	_ =	swait.ge [sflag:s10], $0x2000  }
0x9a: {  	[sflag:s10] =	ssyncset.done $0x0  }
0x9b: {  	[sflag:s10] =	ssyncadd.s32 $0xFFFFE000  }
0x9c: {  	_ =	swait.ge [sflag:s10], $0x2000  }
0x9d: {  	[sflag:s10] =	ssyncset.done $0x0  }
0x9e: {  	[sflag:s10] =	ssyncadd.s32 $0xFFFFE000  }
0x9f: {  	_ =	swait.ge [sflag:s10], $0x2000  }
0xa0: {  	[sflag:s10] =	ssyncset.done $0x0  }
0xa1: {  	[sflag:s10] =	ssyncadd.s32 $0xFFFFE000  }
0xa2: {  	_ =	swait.ge [sflag:s10], $0x2000  }
0xa3: {  	[sflag:s10] =	ssyncset.done $0x0  }
0xa4: {  	[sflag:s10] =	ssyncadd.s32 $0xFFFFE000  }
0xa5: {  	_ =	swait.ge [sflag:s10], $0x2000  }
0xa6: {  	[sflag:s10] =	ssyncset.done $0x0  }
0xa7: {  	[sflag:s10] =	ssyncadd.s32 $0xFFFFE000  }
0xa8: {  	_ =	swait.ge [sflag:s10], $0x2000  }
0xa9: {  	[sflag:s10] =	ssyncset.done $0x0  }
0xaa: {  	[sflag:s10] =	ssyncadd.s32 $0xFFFFE000  }
0xab: {  	_ =	swait.ge [sflag:s10], $0x2000  }
0xac: {  	[sflag:s10] =	ssyncset.done $0x0  }
0xad: {  	[sflag:s10] =	ssyncadd.s32 $0xFFFFE000  }
0xae: {  	_ =	swait.ge [sflag:s10], $0x2000  }
0xaf: {  	[sflag:s10] =	ssyncset.done $0x0  }
0xb0: {  	[sflag:s10] =	ssyncadd.s32 $0xFFFFE000  }
0xb1: {  	_ =	swait.ge [sflag:s10], $0x2000  }
0xb2: {  	[sflag:s10] =	ssyncset.done $0x0  }
0xb3: {  	s1 =	rddreg [dreg:$0xa];
	[sflag:s10] =	ssyncadd.s32 $0xFFFFE000  }
0xb4: {  	[hbm4b:s1+s2] =	stream.linear.scatter [tilespmem:s5], [sflag:$0x2], $0x8000, $0x38;
	[tilespmem:$0x18600] =	vst v63  }
0xb5: {  	_ =	swait.ge [sflag:s3], $0x8000  }
0xb6: {  	[sflag:s3] =	ssyncset.done $0x0  }
0xb7: {  	s1 =	rddreg [dreg:$0xb];
	[sflag:s3] =	ssyncadd.s32 $0xFFFF8000  }
0xb8: {  	[hbm4b:s1+s2] =	stream.linear.scatter [tilespmem:s6], [sflag:$0x2], $0x8000, $0x38;
	[tilespmem:$0x18600] =	vst v63  }
0xb9: {  	p1 =	sne.s32 s0, $0x1;
	_ =	swait.ge [sflag:s3], $0x8000  }
.Ltmp2:
0xba: {  	[sflag:s3] =	ssyncset.done $0x0;
	(pc) =	sbr.rel @p1 .LBB2_2-.Ltmp2, $4  }
0xbb: {  	[sflag:s3] =	ssyncadd.s32 $0xFFFF8000  }
0xbc: {  	[hbm4b:s4+s2] =	stream.linear.scatter [tilespmem:s7], [sflag:$0x2], $0x8000, $0x38;
	[tilespmem:$0x18600] =	vst v63  }
0xbd: {  	_ =	swait.ge [sflag:s3], $0x8000  }
0xbe: {  	s0 =	sadd.s32 $0xFFFFFFFF, s0;
	s1 =	rddreg [dreg:$0x7];
	[sflag:s3] =	ssyncset.done $0x0  }
.LBB2_3:
0xbf: {  	[sflag:s3] =	ssyncadd.s32 @p0 $0xFFFF8000  }
0xc0: {  	[tilespmem:s2], [sflag:$0x2] =	stream.linear.gather [hbm4b:s1+s2], $0x200, $0x38;
	[tilespmem:$0x18600] =	vst v63  }
0xc1: {  	_ =	swait.ge [sflag:s3], $0x200  }
0xc2: {  	[sflag:s3] =	ssyncset.done $0x0  }
0xc3: {  	s0 =	rddreg [dreg:$0x8];
	[sflag:s3] =	ssyncadd.s32 $0xFFFFFE00  }
0xc4: {  	[tilespmem:s13], [sflag:$0x2] =	stream.linear.gather [hbm4b:s0+s2], $0x200, $0x38;
	[tilespmem:$0x18600] =	vst v63  }
0xc5: {  	_ =	swait.ge [sflag:s3], $0x200  }
0xc6: {  	[sflag:s3] =	ssyncset.done $0x0  }
0xc7: {  	s1 =	rddreg [dreg:$0x9];
	[sflag:s3] =	ssyncadd.s32 $0xFFFFFE00  }
0xc8: {  	[tilespmem:s12], [sflag:$0x2] =	stream.linear.gather [hbm4b:s1+s2], $0x200, $0x38;
	[tilespmem:$0x18600] =	vst v63  }
0xc9: {  	_ =	swait.ge [sflag:s3], $0x200  }
0xca: {  	[sflag:s3] =	ssyncset.done $0x0  }
0xcb: {  	[sflag:s3] =	ssyncadd.s32 $0xFFFFFE00  }
0xcc: {  	[tilespmem:s5], [sflag:$0x1] =	stream.indirect.gather [hbm4b:s9+s11], $0x40, s2, s11, $0xb8;
	[tilespmem:$0x18600] =	vst v63  }
0xcd: {  	_ = 	snop  }
0xce: {  	[tilespmem:s14], [sflag:$0x1] =	stream.indirect.gather [hbm4b:s9+s11], $0x40, s11, s11, $0xb8;
	[tilespmem:$0x18600] =	vst v63  }
0xcf: {  	_ = 	snop  }
0xd0: {  	[tilespmem:s16], [sflag:$0x1] =	stream.indirect.gather [hbm4b:s9+s11], $0x40, s15, s11, $0xb8;
	[tilespmem:$0x18600] =	vst v63  }
0xd1: {  	_ = 	snop  }
0xd2: {  	[tilespmem:s18], [sflag:$0x1] =	stream.indirect.gather [hbm4b:s9+s11], $0x40, s17, s11, $0xb8;
	[tilespmem:$0x18600] =	vst v63  }
0xd3: {  	_ = 	snop  }
0xd4: {  	[tilespmem:s6], [sflag:$0x1] =	stream.indirect.gather [hbm4b:s8+s11], $0x40, s13, s11, $0xb8;
	[tilespmem:$0x18600] =	vst v63  }
0xd5: {  	_ = 	snop  }
0xd6: {  	[tilespmem:s20], [sflag:$0x1] =	stream.indirect.gather [hbm4b:s8+s11], $0x40, s19, s11, $0xb8;
	[tilespmem:$0x18600] =	vst v63  }
0xd7: {  	_ = 	snop  }
0xd8: {  	[tilespmem:s22], [sflag:$0x1] =	stream.indirect.gather [hbm4b:s8+s11], $0x40, s21, s11, $0xb8;
	[tilespmem:$0x18600] =	vst v63  }
0xd9: {  	_ = 	snop  }
0xda: {  	[tilespmem:s24], [sflag:$0x1] =	stream.indirect.gather [hbm4b:s8+s11], $0x40, s23, s11, $0xb8;
	[tilespmem:$0x18600] =	vst v63  }
0xdb: {  	_ = 	snop  }
0xdc: {  	[tilespmem:s7], [sflag:$0x1] =	stream.indirect.gather [hbm4b:s8+s11], $0x40, s12, s11, $0xb8;
	[tilespmem:$0x18600] =	vst v63  }
0xdd: {  	_ = 	snop  }
0xde: {  	[tilespmem:s26], [sflag:$0x1] =	stream.indirect.gather [hbm4b:s8+s11], $0x40, s25, s11, $0xb8;
	[tilespmem:$0x18600] =	vst v63  }
0xdf: {  	_ = 	snop  }
0xe0: {  	[tilespmem:s29], [sflag:$0x1] =	stream.indirect.gather [hbm4b:s8+s11], $0x40, s28, s11, $0xb8;
	[tilespmem:$0x18600] =	vst v63  }
0xe1: {  	_ = 	snop  }
0xe2: {  	[tilespmem:s31], [sflag:$0x1] =	stream.indirect.gather [hbm4b:s8+s11], $0x40, s30, s11, $0xb8;
	[tilespmem:$0x18600] =	vst v63  }
0xe3: {  	_ =	swait.ge [sflag:s10], $0x2000  }
0xe4: {  	[sflag:s10] =	ssyncset.done $0x0  }
0xe5: {  	[sflag:s10] =	ssyncadd.s32 $0xFFFFE000  }
0xe6: {  	_ =	swait.ge [sflag:s10], $0x2000  }
0xe7: {  	[sflag:s10] =	ssyncset.done $0x0  }
0xe8: {  	[sflag:s10] =	ssyncadd.s32 $0xFFFFE000  }
0xe9: {  	_ =	swait.ge [sflag:s10], $0x2000  }
0xea: {  	[sflag:s10] =	ssyncset.done $0x0  }
0xeb: {  	[sflag:s10] =	ssyncadd.s32 $0xFFFFE000  }
0xec: {  	_ =	swait.ge [sflag:s10], $0x2000  }
0xed: {  	[sflag:s10] =	ssyncset.done $0x0  }
0xee: {  	[sflag:s10] =	ssyncadd.s32 $0xFFFFE000  }
0xef: {  	_ =	swait.ge [sflag:s10], $0x2000  }
0xf0: {  	[sflag:s10] =	ssyncset.done $0x0  }
0xf1: {  	[sflag:s10] =	ssyncadd.s32 $0xFFFFE000  }
0xf2: {  	_ =	swait.ge [sflag:s10], $0x2000  }
0xf3: {  	[sflag:s10] =	ssyncset.done $0x0  }
0xf4: {  	[sflag:s10] =	ssyncadd.s32 $0xFFFFE000  }
0xf5: {  	_ =	swait.ge [sflag:s10], $0x2000  }
0xf6: {  	[sflag:s10] =	ssyncset.done $0x0  }
0xf7: {  	[sflag:s10] =	ssyncadd.s32 $0xFFFFE000  }
0xf8: {  	_ =	swait.ge [sflag:s10], $0x2000  }
0xf9: {  	[sflag:s10] =	ssyncset.done $0x0  }
0xfa: {  	[sflag:s10] =	ssyncadd.s32 $0xFFFFE000  }
0xfb: {  	_ =	swait.ge [sflag:s10], $0x2000  }
0xfc: {  	[sflag:s10] =	ssyncset.done $0x0  }
0xfd: {  	[sflag:s10] =	ssyncadd.s32 $0xFFFFE000  }
0xfe: {  	_ =	swait.ge [sflag:s10], $0x2000  }
0xff: {  	[sflag:s10] =	ssyncset.done $0x0  }
0x100: {  	[sflag:s10] =	ssyncadd.s32 $0xFFFFE000  }
0x101: {  	_ =	swait.ge [sflag:s10], $0x2000  }
0x102: {  	[sflag:s10] =	ssyncset.done $0x0  }
0x103: {  	[sflag:s10] =	ssyncadd.s32 $0xFFFFE000  }
0x104: {  	_ =	swait.ge [sflag:s10], $0x2000  }
0x105: {  	[sflag:s10] =	ssyncset.done $0x0  }
0x106: {  	s29 =	rddreg [dreg:$0xa];
	[sflag:s10] =	ssyncadd.s32 $0xFFFFE000  }
0x107: {  	[hbm4b:s29+s2] =	stream.linear.scatter [tilespmem:s5], [sflag:$0x2], $0x8000, $0x38;
	[tilespmem:$0x18600] =	vst v63  }
0x108: {  	_ =	swait.ge [sflag:s3], $0x8000  }
0x109: {  	[sflag:s3] =	ssyncset.done $0x0  }
0x10a: {  	s30 =	rddreg [dreg:$0xb];
	[sflag:s3] =	ssyncadd.s32 $0xFFFF8000  }
0x10b: {  	[hbm4b:s30+s2] =	stream.linear.scatter [tilespmem:s6], [sflag:$0x2], $0x8000, $0x38;
	[tilespmem:$0x18600] =	vst v63  }
0x10c: {  	_ =	swait.ge [sflag:s3], $0x8000  }
0x10d: {  	[sflag:s3] =	ssyncset.done $0x0  }
0x10e: {  	[sflag:s3] =	ssyncadd.s32 $0xFFFF8000  }
0x10f: {  	[hbm4b:s4+s2] =	stream.linear.scatter [tilespmem:s7], [sflag:$0x2], $0x8000, $0x38;
	[tilespmem:$0x18600] =	vst v63  }
0x110: {  	_ =	swait.ge [sflag:s3], $0x8000  }
0x111: {  	[sflag:s3] =	ssyncset.done $0x0  }
0x112: {  	[sflag:s3] =	ssyncadd.s32 $0xFFFF8000  }
0x113: {  	_ =	sfence.sel $0x180000  }
0x114: {  	[bflag:$0x0] =	sbarrier.arrive $0xFFFF  }
0x115: {  	_ =	strace $0x90000047  }
0x116: {  	s31 =	stileid.u32;
	[bflag:$0x2] =	sbarrier.arrive $0xFFFF  }
0x117: {  	p0 =	sne.s32 s31, $0x0;
	s0 =	rddreg [dreg:$0x6]  }
0x118: {  	s0 =	sadd.s32 @!p0 $0x100000, s0  }
0x119: {  	[sflag:s0] =	ssyncadd.tile.s32 @!p0 $0x1;
	_ =	shalt  }
.Lfunc_end2:
_tile_overlayer_lowered:
.L_overlay_start_2:
0x11a: {  	(tag) =	ssettag $0x2  }
0x11b: {  	s0 =	rddreg [dreg:$0x0];
	s2 =	stileid.u32  }
0x11c: {  	s1 =	rddreg [dreg:$0x1];
	p0 =	sne.s32 s2, $0x0  }
0x11d: {  	s3 =	rddreg [dreg:$0x2];
	[bflag:$0x3] =	sbarrier.arrive $0xFFFF;
	s2 =	simm.s32 @!p0 $0x1C02  }
0x11e: {  	[timem:s3], [sflag:s2] =	dma.local @!p0 [hbm:s0], s1  }
0x11f: {  	s0 =	simm.s32 @!p0 $0x2  }
0x120: {  	_ =	swait.ge @!p0 [sflag:s0], s1  }
0x121: {  	s1 =	ssub.s32 @!p0 $0x0, s1;
	[sflag:s0] =	ssyncset.done @!p0 $0x0  }
0x122: {  	[sflag:s0] =	ssyncadd.s32 @!p0 s1  }
0x123: {  	[bflag:$0x3] =	sbarrier.arrive $0xFFFF  }
0x124: {  	_ =	shalt  }

</sc_bundles>
